<compile_context>
chip_gen: v7x
topology: tpu7x:2x2x1
jax: 0.10.2.dev20260603
libtpu: 0.0.44.dev20260713+nightly
codegen_flags: <defaults>
</compile_context>

<pallas_src>
import functools

import jax
import jax.numpy as jnp
from jax import lax
from jax.experimental import pallas as pl
from jax.experimental.pallas import tpu as pltpu
from jax.experimental.pallas import tpu_sc as plsc

B, N, C = 16, 20000, 80
K = 300
LN = 128
ROWS = (N * C) // LN
SUBG = 64
NSUB = 196
NB = NSUB // 8 + 1
ROWS_PAD = NSUB * SUBG
BIGF = 8.0e6
KPAD = 320


def _subgroup_stats(strip, base):
    rowf = (lax.broadcasted_iota(jnp.int32, (SUBG, LN), 0)).astype(jnp.float32)
    ms, args = [], []
    for j in range(8):
        blk = strip[j * SUBG:(j + 1) * SUBG]
        m = jnp.max(blk, axis=0, keepdims=True)
        amin = jnp.min(jnp.where(blk == m, rowf + (base + j * SUBG), BIGF),
                       axis=0, keepdims=True)
        ms.append(m)
        args.append(amin)
    return jnp.concatenate(ms, axis=0), jnp.concatenate(args, axis=0)


def _topk_kernel(x_ref, labels_ref, qidx_ref, scores_ref, s_ref, sub_ref,
                 sarg_ref):
    def init_body(i3, _):
        base = i3 * 8 * SUBG
        strip = jax.nn.sigmoid(x_ref[0, pl.ds(base, 8 * SUBG), :])
        s_ref[pl.ds(base, 8 * SUBG), :] = strip
        m8, a8 = _subgroup_stats(strip, base)
        sub_ref[pl.ds(i3, 1), :, :] = m8.reshape(1, 8, LN)
        sarg_ref[pl.ds(i3, 1), :, :] = a8.astype(jnp.int32).reshape(1, 8, LN)
        return 0

    lax.fori_loop(0, (NSUB // 8), init_body, 0)
    base = (NSUB // 8) * 8 * SUBG
    tail = jax.nn.sigmoid(x_ref[0, base:ROWS, :])
    pad = jnp.full((ROWS_PAD - ROWS + 4 * SUBG, LN), -1.0, jnp.float32)
    tailp = jnp.concatenate([tail, pad], axis=0)
    s_ref[base:ROWS_PAD, :] = tailp[:ROWS_PAD - base]
    m8, a8 = _subgroup_stats(tailp, base)
    sub_ref[NSUB // 8:NSUB // 8 + 1, :, :] = m8.reshape(1, 8, LN)
    sarg_ref[NSUB // 8:NSUB // 8 + 1, :, :] = a8.astype(jnp.int32).reshape(
        1, 8, LN)

    oiota = lax.broadcasted_iota(jnp.int32, (1, K), 1)
    lane3 = lax.broadcasted_iota(jnp.int32, (NB, 8, LN), 2)
    rsub = lax.broadcasted_iota(jnp.int32, (SUBG, LN), 0)
    lsub = lax.broadcasted_iota(jnp.int32, (SUBG, LN), 1)
    r8 = lax.broadcasted_iota(jnp.int32, (1, 8, LN), 1)

    def ext_body(j, carry):
        scores_acc, flat_acc = carry
        sub = sub_ref[...]
        m = jnp.max(sub)
        flatf = (sarg_ref[...] * LN + lane3).astype(jnp.float32)
        fmin = jnp.min(jnp.where(sub == m, flatf, BIGF))
        fi = fmin.astype(jnp.int32)
        row = fi // LN
        lane = fi % LN
        g = fi // (SUBG * LN)
        g3 = g // 8
        g8 = g % 8
        scores_acc = jnp.where(oiota == j, m, scores_acc)
        flat_acc = jnp.where(oiota == j, fi, flat_acc)
        strip = s_ref[pl.ds(g * SUBG, SUBG), :]
        rowabs = rsub + g * SUBG
        strip = jnp.where((rowabs == row) & (lsub == lane), -1.0, strip)
        s_ref[pl.ds(g * SUBG, SUBG), :] = strip
        mg = jnp.max(strip, axis=0, keepdims=True)
        aming = jnp.min(jnp.where(strip == mg, rowabs.astype(jnp.float32),
                                  BIGF), axis=0, keepdims=True)
        subblk = sub_ref[pl.ds(g3, 1), :, :]
        sargblk = sarg_ref[pl.ds(g3, 1), :, :]
        sub_ref[pl.ds(g3, 1), :, :] = jnp.where(
            r8 == g8, mg.reshape(1, 1, LN), subblk)
        sarg_ref[pl.ds(g3, 1), :, :] = jnp.where(
            r8 == g8, aming.astype(jnp.int32).reshape(1, 1, LN), sargblk)
        return scores_acc, flat_acc

    scores_acc, flat_acc = lax.fori_loop(
        0, K, ext_body,
        (jnp.zeros((1, K), jnp.float32), jnp.zeros((1, K), jnp.int32)))

    labels_ref[...] = (flat_acc % C).reshape(1, 1, K)
    qidx_ref[...] = (flat_acc // C).reshape(1, 1, K)
    scores_ref[...] = scores_acc.reshape(1, 1, K)


def _run_topk(x):
    xf = x.reshape(B, ROWS, LN)
    return pl.pallas_call(
        _topk_kernel,
        grid=(B,),
        in_specs=[pl.BlockSpec((1, ROWS, LN), lambda b: (b, 0, 0))],
        out_specs=[
            pl.BlockSpec((1, 1, K), lambda b: (b, 0, 0)),
            pl.BlockSpec((1, 1, K), lambda b: (b, 0, 0)),
            pl.BlockSpec((1, 1, K), lambda b: (b, 0, 0)),
        ],
        out_shape=[
            jax.ShapeDtypeStruct((B, 1, K), jnp.int32),
            jax.ShapeDtypeStruct((B, 1, K), jnp.int32),
            jax.ShapeDtypeStruct((B, 1, K), jnp.float32),
        ],
        scratch_shapes=[
            pltpu.VMEM((ROWS_PAD, LN), jnp.float32),
            pltpu.VMEM((NB, 8, LN), jnp.float32),
            pltpu.VMEM((NB, 8, LN), jnp.int32),
        ],
    )(xf)


def _box_kernel(boxes_hbm, qidx_hbm, sizes_hbm, out_hbm, tbl_v, q_v, out_v,
                sz_v):
    cid = lax.axis_index("c")
    sid = lax.axis_index("s")
    wid = sid * 2 + cid
    b = wid // 2
    half = wid % 2
    kh = KPAD // 2
    pltpu.sync_copy(boxes_hbm.at[pl.ds(b * (N * 4), N * 4)], tbl_v)
    pltpu.sync_copy(qidx_hbm.at[pl.ds(b * KPAD + half * kh, kh)], q_v)
    pltpu.sync_copy(sizes_hbm, sz_v)
    w_sc = plsc.load_gather(sz_v, [jnp.full((16,), 2 * b, jnp.int32)])
    h_sc = plsc.load_gather(sz_v, [jnp.full((16,), 2 * b + 1, jnp.int32)])
    for i in range(kh // 16):
        q4 = q_v[pl.ds(i * 16, 16)] * 4
        cx = plsc.load_gather(tbl_v, [q4])
        cy = plsc.load_gather(tbl_v, [q4 + 1])
        w = plsc.load_gather(tbl_v, [q4 + 2])
        h = plsc.load_gather(tbl_v, [q4 + 3])
        x0 = (cx - 0.5 * w) * w_sc
        y0 = (cy - 0.5 * h) * h_sc
        x1 = (cx + 0.5 * w) * w_sc
        y1 = (cy + 0.5 * h) * h_sc
        r4 = (lax.iota(jnp.int32, 16) + i * 16) * 4
        plsc.store_scatter(out_v, [r4], x0)
        plsc.store_scatter(out_v, [r4 + 1], y0)
        plsc.store_scatter(out_v, [r4 + 2], x1)
        plsc.store_scatter(out_v, [r4 + 3], y1)
    pltpu.sync_copy(out_v,
                    out_hbm.at[pl.ds((b * KPAD + half * kh) * 4, kh * 4)])


def _run_boxes(pred_boxes, qidx, sizes):
    qpad = jnp.pad(qidx, ((0, 0), (0, KPAD - K))).reshape(-1)
    mesh = plsc.VectorSubcoreMesh(core_axis_name="c", subcore_axis_name="s")
    f = functools.partial(
        pl.kernel,
        out_type=jax.ShapeDtypeStruct((B * KPAD * 4,), jnp.float32),
        mesh=mesh,
        compiler_params=pltpu.CompilerParams(needs_layout_passes=False),
        scratch_types=[
            pltpu.VMEM((N * 4,), jnp.float32),
            pltpu.VMEM((KPAD // 2,), jnp.int32),
            pltpu.VMEM((KPAD // 2 * 4,), jnp.float32),
            pltpu.VMEM((B * 2,), jnp.float32),
        ],
    )(_box_kernel)
    out = f(pred_boxes.reshape(-1), qpad, sizes.reshape(-1))
    return out.reshape(B, KPAD, 4)[:, :K, :]


def kernel(pred_logits, pred_boxes, orig_target_sizes):
    labels, qidx, scores = _run_topk(pred_logits)
    labels, qidx, scores = labels[:, 0, :], qidx[:, 0, :], scores[:, 0, :]
    boxes = _run_boxes(pred_boxes, qidx, orig_target_sizes)
    return labels, boxes, scores

# --- scband reference (transcript-rebuilt; emitter-appended) ---
"""Pipeline reference for scband-post-processor-original-16896401343138 (READ-ONLY COPY).

The authoritative reference and input builder live on the scoring server;
editing this copy changes nothing except your own understanding.
"""

import jax, jax.numpy as jnp
import numpy as np

NUM_CLASSES = 80
NUM_TOP_QUERIES = 300
B, N, C = 16, 20000, 80


def setup_inputs(seed: int = 0) -> dict:
    key = jax.random.key(seed)
    k1, k2, k3 = jax.random.split(key, 3)
    pred_logits = jax.random.normal(k1, (B, N, C), dtype=jnp.float32)
    pred_boxes = jax.random.uniform(k2, (B, N, 4), dtype=jnp.float32)
    orig_target_sizes = jax.random.uniform(k3, (B, 2), dtype=jnp.float32) * 1000.0
    return {"pred_logits": pred_logits, "pred_boxes": pred_boxes, "orig_target_sizes": orig_target_sizes}


def _box_cxcywh_to_xyxy(boxes):
    cx, cy, w, h = jnp.split(boxes, 4, axis=-1)
    return jnp.concatenate([cx - 0.5 * w, cy - 0.5 * h, cx + 0.5 * w, cy + 0.5 * h], axis=-1)


def reference(pred_logits, pred_boxes, orig_target_sizes):
    # box_convert cxcywh -> xyxy
    bbox_pred = _box_cxcywh_to_xyxy(pred_boxes)
    # scale by original image sizes: orig_target_sizes.repeat(1, 2).unsqueeze(1)
    scale = jnp.tile(orig_target_sizes, (1, 2))[:, None, :]
    bbox_pred = bbox_pred * scale
    # focal-loss path: sigmoid scores, flat top-k over queries*classes
    scores = jax.nn.sigmoid(pred_logits)
    b, n, c = scores.shape
    flat = scores.reshape(b, n * c)
    scores_k, index = jax.lax.top_k(flat, NUM_TOP_QUERIES)
    # labels = mod(index, num_classes); query index = index // num_classes
    labels = index - (index // NUM_CLASSES) * NUM_CLASSES
    qidx = index // NUM_CLASSES
    gather_idx = jnp.broadcast_to(qidx[:, :, None], (b, NUM_TOP_QUERIES, bbox_pred.shape[-1]))
    boxes = jnp.take_along_axis(bbox_pred, gather_idx, axis=1)
    # original returns a list of per-image dicts; stacked tensors are equivalent
    return (labels, boxes, scores_k)

if __name__ == "__main__":
    import jax
    _d = setup_inputs()
    print(jax.jit(kernel)(*tuple(_d.values())))

</pallas_src>

<mosaic_0001>
#map = affine_map<(d0, d1) -> (0)>
module attributes {stable_mosaic.version = 14 : i64} {
  func.func @_box_kernel(%arg0: i32, %arg1: i32, %arg2: memref<1280000xf32, #tpu.memory_space<hbm>>, %arg3: memref<5120xi32, #tpu.memory_space<hbm>>, %arg4: memref<32xf32, #tpu.memory_space<hbm>>, %arg5: memref<20480xf32, #tpu.memory_space<hbm>>, %arg6: memref<80000xf32, #tpu.memory_space<vmem>>, %arg7: memref<160xi32, #tpu.memory_space<vmem>>, %arg8: memref<640xf32, #tpu.memory_space<vmem>>, %arg9: memref<32xf32, #tpu.memory_space<vmem>>) attributes {dimension_semantics = [#tpu.dimension_semantics<core_parallel>, #tpu.dimension_semantics<subcore_parallel>], iteration_bounds = array<i64: 2, 16>, scalar_prefetch = 0 : i64, scratch_operands = 4 : i64, tpu.core_type = #tpu.core_type<sc_vector_subcore>, window_params = [{transform_indices = #map}, {transform_indices = #map}, {transform_indices = #map}, {transform_indices = #map}]} {
    %mul3A = arith.constant 2 : i32
    %mul3A_0 = arith.muli %arg1, %mul3A : i32
    %add3A = arith.addi %mul3A_0, %arg0 : i32
    %jit3A = arith.constant 2 : i32
    %div3A = arith.divsi %add3A, %jit3A : i32
    %sign3A = arith.constant 0 : i32
    %sign3A_1 = arith.cmpi sgt, %add3A, %sign3A : i32
    %sign3A_2 = arith.extui %sign3A_1 : i1 to i32
    %sign3A_3 = arith.constant 0 : i32
    %sign3A_4 = arith.cmpi slt, %add3A, %sign3A_3 : i32
    %sign3A_5 = arith.extui %sign3A_4 : i1 to i32
    %sign3A_6 = arith.subi %sign3A_2, %sign3A_5 : i32
    %sign3A_7 = arith.constant 0 : i32
    %sign3A_8 = arith.cmpi sgt, %jit3A, %sign3A_7 : i32
    %sign3A_9 = arith.extui %sign3A_8 : i1 to i32
    %sign3A_10 = arith.constant 0 : i32
    %sign3A_11 = arith.cmpi slt, %jit3A, %sign3A_10 : i32
    %sign3A_12 = arith.extui %sign3A_11 : i1 to i32
    %sign3A_13 = arith.subi %sign3A_9, %sign3A_12 : i32
    %ne3A = arith.cmpi ne, %sign3A_6, %sign3A_13 : i32
    %rem3A = arith.remsi %add3A, %jit3A : i32
    %ne3A_14 = arith.constant 0 : i32
    %ne3A_15 = arith.cmpi ne, %rem3A, %ne3A_14 : i32
    %and3A = arith.andi %ne3A, %ne3A_15 : i1
    %sub3A = arith.constant 1 : i32
    %sub3A_16 = arith.subi %div3A, %sub3A : i32
    %select_n3A = arith.select %and3A, %sub3A_16, %div3A : i32
    %jit3A_17 = arith.constant 2 : i32
    %eq3A = arith.constant 0 : i32
    %eq3A_18 = arith.cmpi eq, %jit3A_17, %eq3A : i32
    %jit3A_19 = arith.constant 1 : i32
    %select_n3A_20 = arith.select %eq3A_18, %jit3A_19, %jit3A_17 : i32
    %rem3A_21 = arith.remsi %add3A, %select_n3A_20 : i32
    %ne3A_22 = arith.constant 0 : i32
    %ne3A_23 = arith.cmpi ne, %rem3A_21, %ne3A_22 : i32
    %lt3A = arith.constant 0 : i32
    %lt3A_24 = arith.cmpi slt, %rem3A_21, %lt3A : i32
    %lt3A_25 = arith.constant 0 : i32
    %lt3A_26 = arith.cmpi slt, %select_n3A_20, %lt3A_25 : i32
    %ne3A_27 = arith.xori %lt3A_24, %lt3A_26 : i1
    %and3A_28 = arith.andi %ne3A_27, %ne3A_23 : i1
    %add3A_29 = arith.addi %rem3A_21, %select_n3A_20 : i32
    %select_n3A_30 = arith.select %and3A_28, %add3A_29, %rem3A_21 : i32
    %mul3A_31 = arith.constant 80000 : i32
    %mul3A_32 = arith.muli %select_n3A, %mul3A_31 : i32
    "tpu.region"() ({
      %run_scoped3A = tpu.sem_alloc : memref<!tpu.dma_semaphore, #tpu.memory_space<semaphore_mem>>
      %dma_start3A = tpu.memref_slice %arg2[%mul3A_32] : memref<1280000xf32, #tpu.memory_space<hbm>> -> memref<80000xf32, #tpu.memory_space<hbm>>
      %dma_start3A_591 = tpu.memref_slice %arg2[%mul3A_32] : memref<1280000xf32, #tpu.memory_space<hbm>> -> memref<80000xf32, #tpu.memory_space<hbm>>
      tpu.enqueue_dma source(%dma_start3A_591 : memref<80000xf32, #tpu.memory_space<hbm>>) target(%arg6 : memref<80000xf32, #tpu.memory_space<vmem>>) target_semaphore(%run_scoped3A : memref<!tpu.dma_semaphore, #tpu.memory_space<semaphore_mem>>)
      %dma_wait3A = tpu.memref_slice %arg2[%mul3A_32] : memref<1280000xf32, #tpu.memory_space<hbm>> -> memref<80000xf32, #tpu.memory_space<hbm>>
      %dma_wait3A_592 = tpu.memref_slice %arg2[%mul3A_32] : memref<1280000xf32, #tpu.memory_space<hbm>> -> memref<80000xf32, #tpu.memory_space<hbm>>
      tpu.wait_dma2 semaphore(%run_scoped3A : memref<!tpu.dma_semaphore, #tpu.memory_space<semaphore_mem>>) src(%dma_wait3A_592 : memref<80000xf32, #tpu.memory_space<hbm>>) dst(%arg6 : memref<80000xf32, #tpu.memory_space<vmem>>)
      tpu.yield
    }) : () -> ()
    %mul3A_33 = arith.constant 320 : i32
    %mul3A_34 = arith.muli %select_n3A, %mul3A_33 : i32
    %mul3A_35 = arith.constant 160 : i32
    %mul3A_36 = arith.muli %select_n3A_30, %mul3A_35 : i32
    %add3A_37 = arith.addi %mul3A_34, %mul3A_36 : i32
    "tpu.region"() ({
      %run_scoped3A = tpu.sem_alloc : memref<!tpu.dma_semaphore, #tpu.memory_space<semaphore_mem>>
      %dma_start3A = tpu.memref_slice %arg3[%add3A_37] : memref<5120xi32, #tpu.memory_space<hbm>> -> memref<160xi32, #tpu.memory_space<hbm>>
      %dma_start3A_591 = tpu.memref_slice %arg3[%add3A_37] : memref<5120xi32, #tpu.memory_space<hbm>> -> memref<160xi32, #tpu.memory_space<hbm>>
      tpu.enqueue_dma source(%dma_start3A_591 : memref<160xi32, #tpu.memory_space<hbm>>) target(%arg7 : memref<160xi32, #tpu.memory_space<vmem>>) target_semaphore(%run_scoped3A : memref<!tpu.dma_semaphore, #tpu.memory_space<semaphore_mem>>)
      %dma_wait3A = tpu.memref_slice %arg3[%add3A_37] : memref<5120xi32, #tpu.memory_space<hbm>> -> memref<160xi32, #tpu.memory_space<hbm>>
      %dma_wait3A_592 = tpu.memref_slice %arg3[%add3A_37] : memref<5120xi32, #tpu.memory_space<hbm>> -> memref<160xi32, #tpu.memory_space<hbm>>
      tpu.wait_dma2 semaphore(%run_scoped3A : memref<!tpu.dma_semaphore, #tpu.memory_space<semaphore_mem>>) src(%dma_wait3A_592 : memref<160xi32, #tpu.memory_space<hbm>>) dst(%arg7 : memref<160xi32, #tpu.memory_space<vmem>>)
      tpu.yield
    }) : () -> ()
    "tpu.region"() ({
      %run_scoped3A = tpu.sem_alloc : memref<!tpu.dma_semaphore, #tpu.memory_space<semaphore_mem>>
      tpu.enqueue_dma source(%arg4 : memref<32xf32, #tpu.memory_space<hbm>>) target(%arg9 : memref<32xf32, #tpu.memory_space<vmem>>) target_semaphore(%run_scoped3A : memref<!tpu.dma_semaphore, #tpu.memory_space<semaphore_mem>>)
      tpu.wait_dma2 semaphore(%run_scoped3A : memref<!tpu.dma_semaphore, #tpu.memory_space<semaphore_mem>>) src(%arg4 : memref<32xf32, #tpu.memory_space<hbm>>) dst(%arg9 : memref<32xf32, #tpu.memory_space<vmem>>)
      tpu.yield
    }) : () -> ()
    %mul3A_38 = arith.constant 2 : i32
    %mul3A_39 = arith.muli %mul3A_38, %select_n3A : i32
    %broadcast_in_dim3A = vector.broadcast %mul3A_39 : i32 to vector<16xi32>
    %gather3A = tpu.vector_load_idx %arg9[%broadcast_in_dim3A] : memref<32xf32, #tpu.memory_space<vmem>>[vector<16xi32>], vector<16xf32>,
    %mul3A_40 = arith.constant 2 : i32
    %mul3A_41 = arith.muli %mul3A_40, %select_n3A : i32
    %add3A_42 = arith.constant 1 : i32
    %add3A_43 = arith.addi %mul3A_41, %add3A_42 : i32
    %broadcast_in_dim3A_44 = vector.broadcast %add3A_43 : i32 to vector<16xi32>
    %gather3A_45 = tpu.vector_load_idx %arg9[%broadcast_in_dim3A_44] : memref<32xf32, #tpu.memory_space<vmem>>[vector<16xi32>], vector<16xf32>,
    %get3A = arith.constant 0 : index
    %get3A_46 = tpu.vector_load %arg7[%get3A] {strides = array<i32>} : memref<160xi32, #tpu.memory_space<vmem>>, vector<16xi32>,
    %mul3A_47 = arith.constant 4 : i32
    %mul3A_48 = vector.broadcast %mul3A_47 : i32 to vector<16xi32>
    %mul3A_49 = arith.muli %get3A_46, %mul3A_48 : vector<16xi32>
    %gather3A_50 = tpu.vector_load_idx %arg6[%mul3A_49] : memref<80000xf32, #tpu.memory_space<vmem>>[vector<16xi32>], vector<16xf32>,
    %add3A_51 = arith.constant 1 : i32
    %add3A_52 = vector.broadcast %add3A_51 : i32 to vector<16xi32>
    %add3A_53 = arith.addi %mul3A_49, %add3A_52 : vector<16xi32>
    %gather3A_54 = tpu.vector_load_idx %arg6[%add3A_53] : memref<80000xf32, #tpu.memory_space<vmem>>[vector<16xi32>], vector<16xf32>,
    %add3A_55 = arith.constant 2 : i32
    %add3A_56 = vector.broadcast %add3A_55 : i32 to vector<16xi32>
    %add3A_57 = arith.addi %mul3A_49, %add3A_56 : vector<16xi32>
    %gather3A_58 = tpu.vector_load_idx %arg6[%add3A_57] : memref<80000xf32, #tpu.memory_space<vmem>>[vector<16xi32>], vector<16xf32>,
    %add3A_59 = arith.constant 3 : i32
    %add3A_60 = vector.broadcast %add3A_59 : i32 to vector<16xi32>
    %add3A_61 = arith.addi %mul3A_49, %add3A_60 : vector<16xi32>
    %gather3A_62 = tpu.vector_load_idx %arg6[%add3A_61] : memref<80000xf32, #tpu.memory_space<vmem>>[vector<16xi32>], vector<16xf32>,
    %mul3A_63 = arith.constant 5.000000e-01 : f32
    %mul3A_64 = vector.broadcast %mul3A_63 : f32 to vector<16xf32>
    %mul3A_65 = arith.mulf %mul3A_64, %gather3A_58 : vector<16xf32>
    %sub3A_66 = arith.subf %gather3A_50, %mul3A_65 : vector<16xf32>
    %mul3A_67 = arith.mulf %sub3A_66, %gather3A : vector<16xf32>
    %mul3A_68 = arith.constant 5.000000e-01 : f32
    %mul3A_69 = vector.broadcast %mul3A_68 : f32 to vector<16xf32>
    %mul3A_70 = arith.mulf %mul3A_69, %gather3A_62 : vector<16xf32>
    %sub3A_71 = arith.subf %gather3A_54, %mul3A_70 : vector<16xf32>
    %mul3A_72 = arith.mulf %sub3A_71, %gather3A_45 : vector<16xf32>
    %mul3A_73 = arith.constant 5.000000e-01 : f32
    %mul3A_74 = vector.broadcast %mul3A_73 : f32 to vector<16xf32>
    %mul3A_75 = arith.mulf %mul3A_74, %gather3A_58 : vector<16xf32>
    %add3A_76 = arith.addf %gather3A_50, %mul3A_75 : vector<16xf32>
    %mul3A_77 = arith.mulf %add3A_76, %gather3A : vector<16xf32>
    %mul3A_78 = arith.constant 5.000000e-01 : f32
    %mul3A_79 = vector.broadcast %mul3A_78 : f32 to vector<16xf32>
    %mul3A_80 = arith.mulf %mul3A_79, %gather3A_62 : vector<16xf32>
    %add3A_81 = arith.addf %gather3A_54, %mul3A_80 : vector<16xf32>
    %mul3A_82 = arith.mulf %add3A_81, %gather3A_45 : vector<16xf32>
    %iota3A = tpu.iota {dimensions = array<i32: 0>} : vector<16xi32>
    %add3A_83 = arith.constant 0 : i32
    %add3A_84 = vector.broadcast %add3A_83 : i32 to vector<16xi32>
    %add3A_85 = arith.addi %iota3A, %add3A_84 : vector<16xi32>
    %mul3A_86 = arith.constant 4 : i32
    %mul3A_87 = vector.broadcast %mul3A_86 : i32 to vector<16xi32>
    %mul3A_88 = arith.muli %add3A_85, %mul3A_87 : vector<16xi32>
    tpu.vector_store_idx %arg8[%mul3A_88], %mul3A_67 : memref<640xf32, #tpu.memory_space<vmem>>[vector<16xi32>], vector<16xf32>,
    %add3A_89 = arith.constant 1 : i32
    %add3A_90 = vector.broadcast %add3A_89 : i32 to vector<16xi32>
    %add3A_91 = arith.addi %mul3A_88, %add3A_90 : vector<16xi32>
    tpu.vector_store_idx %arg8[%add3A_91], %mul3A_72 : memref<640xf32, #tpu.memory_space<vmem>>[vector<16xi32>], vector<16xf32>,
    %add3A_92 = arith.constant 2 : i32
    %add3A_93 = vector.broadcast %add3A_92 : i32 to vector<16xi32>
    %add3A_94 = arith.addi %mul3A_88, %add3A_93 : vector<16xi32>
    tpu.vector_store_idx %arg8[%add3A_94], %mul3A_77 : memref<640xf32, #tpu.memory_space<vmem>>[vector<16xi32>], vector<16xf32>,
    %add3A_95 = arith.constant 3 : i32
    %add3A_96 = vector.broadcast %add3A_95 : i32 to vector<16xi32>
    %add3A_97 = arith.addi %mul3A_88, %add3A_96 : vector<16xi32>
    tpu.vector_store_idx %arg8[%add3A_97], %mul3A_82 : memref<640xf32, #tpu.memory_space<vmem>>[vector<16xi32>], vector<16xf32>,
    %get3A_98 = arith.constant 16 : index
    %get3A_99 = tpu.vector_load %arg7[%get3A_98] {strides = array<i32>} : memref<160xi32, #tpu.memory_space<vmem>>, vector<16xi32>,
    %mul3A_100 = arith.constant 4 : i32
    %mul3A_101 = vector.broadcast %mul3A_100 : i32 to vector<16xi32>
    %mul3A_102 = arith.muli %get3A_99, %mul3A_101 : vector<16xi32>
    %gather3A_103 = tpu.vector_load_idx %arg6[%mul3A_102] : memref<80000xf32, #tpu.memory_space<vmem>>[vector<16xi32>], vector<16xf32>,
    %add3A_104 = arith.constant 1 : i32
    %add3A_105 = vector.broadcast %add3A_104 : i32 to vector<16xi32>
    %add3A_106 = arith.addi %mul3A_102, %add3A_105 : vector<16xi32>
    %gather3A_107 = tpu.vector_load_idx %arg6[%add3A_106] : memref<80000xf32, #tpu.memory_space<vmem>>[vector<16xi32>], vector<16xf32>,
    %add3A_108 = arith.constant 2 : i32
    %add3A_109 = vector.broadcast %add3A_108 : i32 to vector<16xi32>
    %add3A_110 = arith.addi %mul3A_102, %add3A_109 : vector<16xi32>
    %gather3A_111 = tpu.vector_load_idx %arg6[%add3A_110] : memref<80000xf32, #tpu.memory_space<vmem>>[vector<16xi32>], vector<16xf32>,
    %add3A_112 = arith.constant 3 : i32
    %add3A_113 = vector.broadcast %add3A_112 : i32 to vector<16xi32>
    %add3A_114 = arith.addi %mul3A_102, %add3A_113 : vector<16xi32>
    %gather3A_115 = tpu.vector_load_idx %arg6[%add3A_114] : memref<80000xf32, #tpu.memory_space<vmem>>[vector<16xi32>], vector<16xf32>,
    %mul3A_116 = arith.constant 5.000000e-01 : f32
    %mul3A_117 = vector.broadcast %mul3A_116 : f32 to vector<16xf32>
    %mul3A_118 = arith.mulf %mul3A_117, %gather3A_111 : vector<16xf32>
    %sub3A_119 = arith.subf %gather3A_103, %mul3A_118 : vector<16xf32>
    %mul3A_120 = arith.mulf %sub3A_119, %gather3A : vector<16xf32>
    %mul3A_121 = arith.constant 5.000000e-01 : f32
    %mul3A_122 = vector.broadcast %mul3A_121 : f32 to vector<16xf32>
    %mul3A_123 = arith.mulf %mul3A_122, %gather3A_115 : vector<16xf32>
    %sub3A_124 = arith.subf %gather3A_107, %mul3A_123 : vector<16xf32>
    %mul3A_125 = arith.mulf %sub3A_124, %gather3A_45 : vector<16xf32>
    %mul3A_126 = arith.constant 5.000000e-01 : f32
    %mul3A_127 = vector.broadcast %mul3A_126 : f32 to vector<16xf32>
    %mul3A_128 = arith.mulf %mul3A_127, %gather3A_111 : vector<16xf32>
    %add3A_129 = arith.addf %gather3A_103, %mul3A_128 : vector<16xf32>
    %mul3A_130 = arith.mulf %add3A_129, %gather3A : vector<16xf32>
    %mul3A_131 = arith.constant 5.000000e-01 : f32
    %mul3A_132 = vector.broadcast %mul3A_131 : f32 to vector<16xf32>
    %mul3A_133 = arith.mulf %mul3A_132, %gather3A_115 : vector<16xf32>
    %add3A_134 = arith.addf %gather3A_107, %mul3A_133 : vector<16xf32>
    %mul3A_135 = arith.mulf %add3A_134, %gather3A_45 : vector<16xf32>
    %iota3A_136 = tpu.iota {dimensions = array<i32: 0>} : vector<16xi32>
    %add3A_137 = arith.constant 16 : i32
    %add3A_138 = vector.broadcast %add3A_137 : i32 to vector<16xi32>
    %add3A_139 = arith.addi %iota3A_136, %add3A_138 : vector<16xi32>
    %mul3A_140 = arith.constant 4 : i32
    %mul3A_141 = vector.broadcast %mul3A_140 : i32 to vector<16xi32>
    %mul3A_142 = arith.muli %add3A_139, %mul3A_141 : vector<16xi32>
    tpu.vector_store_idx %arg8[%mul3A_142], %mul3A_120 : memref<640xf32, #tpu.memory_space<vmem>>[vector<16xi32>], vector<16xf32>,
    %add3A_143 = arith.constant 1 : i32
    %add3A_144 = vector.broadcast %add3A_143 : i32 to vector<16xi32>
    %add3A_145 = arith.addi %mul3A_142, %add3A_144 : vector<16xi32>
    tpu.vector_store_idx %arg8[%add3A_145], %mul3A_125 : memref<640xf32, #tpu.memory_space<vmem>>[vector<16xi32>], vector<16xf32>,
    %add3A_146 = arith.constant 2 : i32
    %add3A_147 = vector.broadcast %add3A_146 : i32 to vector<16xi32>
    %add3A_148 = arith.addi %mul3A_142, %add3A_147 : vector<16xi32>
    tpu.vector_store_idx %arg8[%add3A_148], %mul3A_130 : memref<640xf32, #tpu.memory_space<vmem>>[vector<16xi32>], vector<16xf32>,
    %add3A_149 = arith.constant 3 : i32
    %add3A_150 = vector.broadcast %add3A_149 : i32 to vector<16xi32>
    %add3A_151 = arith.addi %mul3A_142, %add3A_150 : vector<16xi32>
    tpu.vector_store_idx %arg8[%add3A_151], %mul3A_135 : memref<640xf32, #tpu.memory_space<vmem>>[vector<16xi32>], vector<16xf32>,
    %get3A_152 = arith.constant 32 : index
    %get3A_153 = tpu.vector_load %arg7[%get3A_152] {strides = array<i32>} : memref<160xi32, #tpu.memory_space<vmem>>, vector<16xi32>,
    %mul3A_154 = arith.constant 4 : i32
    %mul3A_155 = vector.broadcast %mul3A_154 : i32 to vector<16xi32>
    %mul3A_156 = arith.muli %get3A_153, %mul3A_155 : vector<16xi32>
    %gather3A_157 = tpu.vector_load_idx %arg6[%mul3A_156] : memref<80000xf32, #tpu.memory_space<vmem>>[vector<16xi32>], vector<16xf32>,
    %add3A_158 = arith.constant 1 : i32
    %add3A_159 = vector.broadcast %add3A_158 : i32 to vector<16xi32>
    %add3A_160 = arith.addi %mul3A_156, %add3A_159 : vector<16xi32>
    %gather3A_161 = tpu.vector_load_idx %arg6[%add3A_160] : memref<80000xf32, #tpu.memory_space<vmem>>[vector<16xi32>], vector<16xf32>,
    %add3A_162 = arith.constant 2 : i32
    %add3A_163 = vector.broadcast %add3A_162 : i32 to vector<16xi32>
    %add3A_164 = arith.addi %mul3A_156, %add3A_163 : vector<16xi32>
    %gather3A_165 = tpu.vector_load_idx %arg6[%add3A_164] : memref<80000xf32, #tpu.memory_space<vmem>>[vector<16xi32>], vector<16xf32>,
    %add3A_166 = arith.constant 3 : i32
    %add3A_167 = vector.broadcast %add3A_166 : i32 to vector<16xi32>
    %add3A_168 = arith.addi %mul3A_156, %add3A_167 : vector<16xi32>
    %gather3A_169 = tpu.vector_load_idx %arg6[%add3A_168] : memref<80000xf32, #tpu.memory_space<vmem>>[vector<16xi32>], vector<16xf32>,
    %mul3A_170 = arith.constant 5.000000e-01 : f32
    %mul3A_171 = vector.broadcast %mul3A_170 : f32 to vector<16xf32>
    %mul3A_172 = arith.mulf %mul3A_171, %gather3A_165 : vector<16xf32>
    %sub3A_173 = arith.subf %gather3A_157, %mul3A_172 : vector<16xf32>
    %mul3A_174 = arith.mulf %sub3A_173, %gather3A : vector<16xf32>
    %mul3A_175 = arith.constant 5.000000e-01 : f32
    %mul3A_176 = vector.broadcast %mul3A_175 : f32 to vector<16xf32>
    %mul3A_177 = arith.mulf %mul3A_176, %gather3A_169 : vector<16xf32>
    %sub3A_178 = arith.subf %gather3A_161, %mul3A_177 : vector<16xf32>
    %mul3A_179 = arith.mulf %sub3A_178, %gather3A_45 : vector<16xf32>
    %mul3A_180 = arith.constant 5.000000e-01 : f32
    %mul3A_181 = vector.broadcast %mul3A_180 : f32 to vector<16xf32>
    %mul3A_182 = arith.mulf %mul3A_181, %gather3A_165 : vector<16xf32>
    %add3A_183 = arith.addf %gather3A_157, %mul3A_182 : vector<16xf32>
    %mul3A_184 = arith.mulf %add3A_183, %gather3A : vector<16xf32>
    %mul3A_185 = arith.constant 5.000000e-01 : f32
    %mul3A_186 = vector.broadcast %mul3A_185 : f32 to vector<16xf32>
    %mul3A_187 = arith.mulf %mul3A_186, %gather3A_169 : vector<16xf32>
    %add3A_188 = arith.addf %gather3A_161, %mul3A_187 : vector<16xf32>
    %mul3A_189 = arith.mulf %add3A_188, %gather3A_45 : vector<16xf32>
    %iota3A_190 = tpu.iota {dimensions = array<i32: 0>} : vector<16xi32>
    %add3A_191 = arith.constant 32 : i32
    %add3A_192 = vector.broadcast %add3A_191 : i32 to vector<16xi32>
    %add3A_193 = arith.addi %iota3A_190, %add3A_192 : vector<16xi32>
    %mul3A_194 = arith.constant 4 : i32
    %mul3A_195 = vector.broadcast %mul3A_194 : i32 to vector<16xi32>
    %mul3A_196 = arith.muli %add3A_193, %mul3A_195 : vector<16xi32>
    tpu.vector_store_idx %arg8[%mul3A_196], %mul3A_174 : memref<640xf32, #tpu.memory_space<vmem>>[vector<16xi32>], vector<16xf32>,
    %add3A_197 = arith.constant 1 : i32
    %add3A_198 = vector.broadcast %add3A_197 : i32 to vector<16xi32>
    %add3A_199 = arith.addi %mul3A_196, %add3A_198 : vector<16xi32>
    tpu.vector_store_idx %arg8[%add3A_199], %mul3A_179 : memref<640xf32, #tpu.memory_space<vmem>>[vector<16xi32>], vector<16xf32>,
    %add3A_200 = arith.constant 2 : i32
    %add3A_201 = vector.broadcast %add3A_200 : i32 to vector<16xi32>
    %add3A_202 = arith.addi %mul3A_196, %add3A_201 : vector<16xi32>
    tpu.vector_store_idx %arg8[%add3A_202], %mul3A_184 : memref<640xf32, #tpu.memory_space<vmem>>[vector<16xi32>], vector<16xf32>,
    %add3A_203 = arith.constant 3 : i32
    %add3A_204 = vector.broadcast %add3A_203 : i32 to vector<16xi32>
    %add3A_205 = arith.addi %mul3A_196, %add3A_204 : vector<16xi32>
    tpu.vector_store_idx %arg8[%add3A_205], %mul3A_189 : memref<640xf32, #tpu.memory_space<vmem>>[vector<16xi32>], vector<16xf32>,
    %get3A_206 = arith.constant 48 : index
    %get3A_207 = tpu.vector_load %arg7[%get3A_206] {strides = array<i32>} : memref<160xi32, #tpu.memory_space<vmem>>, vector<16xi32>,
    %mul3A_208 = arith.constant 4 : i32
    %mul3A_209 = vector.broadcast %mul3A_208 : i32 to vector<16xi32>
    %mul3A_210 = arith.muli %get3A_207, %mul3A_209 : vector<16xi32>
    %gather3A_211 = tpu.vector_load_idx %arg6[%mul3A_210] : memref<80000xf32, #tpu.memory_space<vmem>>[vector<16xi32>], vector<16xf32>,
    %add3A_212 = arith.constant 1 : i32
    %add3A_213 = vector.broadcast %add3A_212 : i32 to vector<16xi32>
    %add3A_214 = arith.addi %mul3A_210, %add3A_213 : vector<16xi32>
    %gather3A_215 = tpu.vector_load_idx %arg6[%add3A_214] : memref<80000xf32, #tpu.memory_space<vmem>>[vector<16xi32>], vector<16xf32>,
    %add3A_216 = arith.constant 2 : i32
    %add3A_217 = vector.broadcast %add3A_216 : i32 to vector<16xi32>
    %add3A_218 = arith.addi %mul3A_210, %add3A_217 : vector<16xi32>
    %gather3A_219 = tpu.vector_load_idx %arg6[%add3A_218] : memref<80000xf32, #tpu.memory_space<vmem>>[vector<16xi32>], vector<16xf32>,
    %add3A_220 = arith.constant 3 : i32
    %add3A_221 = vector.broadcast %add3A_220 : i32 to vector<16xi32>
    %add3A_222 = arith.addi %mul3A_210, %add3A_221 : vector<16xi32>
    %gather3A_223 = tpu.vector_load_idx %arg6[%add3A_222] : memref<80000xf32, #tpu.memory_space<vmem>>[vector<16xi32>], vector<16xf32>,
    %mul3A_224 = arith.constant 5.000000e-01 : f32
    %mul3A_225 = vector.broadcast %mul3A_224 : f32 to vector<16xf32>
    %mul3A_226 = arith.mulf %mul3A_225, %gather3A_219 : vector<16xf32>
    %sub3A_227 = arith.subf %gather3A_211, %mul3A_226 : vector<16xf32>
    %mul3A_228 = arith.mulf %sub3A_227, %gather3A : vector<16xf32>
    %mul3A_229 = arith.constant 5.000000e-01 : f32
    %mul3A_230 = vector.broadcast %mul3A_229 : f32 to vector<16xf32>
    %mul3A_231 = arith.mulf %mul3A_230, %gather3A_223 : vector<16xf32>
    %sub3A_232 = arith.subf %gather3A_215, %mul3A_231 : vector<16xf32>
    %mul3A_233 = arith.mulf %sub3A_232, %gather3A_45 : vector<16xf32>
    %mul3A_234 = arith.constant 5.000000e-01 : f32
    %mul3A_235 = vector.broadcast %mul3A_234 : f32 to vector<16xf32>
    %mul3A_236 = arith.mulf %mul3A_235, %gather3A_219 : vector<16xf32>
    %add3A_237 = arith.addf %gather3A_211, %mul3A_236 : vector<16xf32>
    %mul3A_238 = arith.mulf %add3A_237, %gather3A : vector<16xf32>
    %mul3A_239 = arith.constant 5.000000e-01 : f32
    %mul3A_240 = vector.broadcast %mul3A_239 : f32 to vector<16xf32>
    %mul3A_241 = arith.mulf %mul3A_240, %gather3A_223 : vector<16xf32>
    %add3A_242 = arith.addf %gather3A_215, %mul3A_241 : vector<16xf32>
    %mul3A_243 = arith.mulf %add3A_242, %gather3A_45 : vector<16xf32>
    %iota3A_244 = tpu.iota {dimensions = array<i32: 0>} : vector<16xi32>
    %add3A_245 = arith.constant 48 : i32
    %add3A_246 = vector.broadcast %add3A_245 : i32 to vector<16xi32>
    %add3A_247 = arith.addi %iota3A_244, %add3A_246 : vector<16xi32>
    %mul3A_248 = arith.constant 4 : i32
    %mul3A_249 = vector.broadcast %mul3A_248 : i32 to vector<16xi32>
    %mul3A_250 = arith.muli %add3A_247, %mul3A_249 : vector<16xi32>
    tpu.vector_store_idx %arg8[%mul3A_250], %mul3A_228 : memref<640xf32, #tpu.memory_space<vmem>>[vector<16xi32>], vector<16xf32>,
    %add3A_251 = arith.constant 1 : i32
    %add3A_252 = vector.broadcast %add3A_251 : i32 to vector<16xi32>
    %add3A_253 = arith.addi %mul3A_250, %add3A_252 : vector<16xi32>
    tpu.vector_store_idx %arg8[%add3A_253], %mul3A_233 : memref<640xf32, #tpu.memory_space<vmem>>[vector<16xi32>], vector<16xf32>,
    %add3A_254 = arith.constant 2 : i32
    %add3A_255 = vector.broadcast %add3A_254 : i32 to vector<16xi32>
    %add3A_256 = arith.addi %mul3A_250, %add3A_255 : vector<16xi32>
    tpu.vector_store_idx %arg8[%add3A_256], %mul3A_238 : memref<640xf32, #tpu.memory_space<vmem>>[vector<16xi32>], vector<16xf32>,
    %add3A_257 = arith.constant 3 : i32
    %add3A_258 = vector.broadcast %add3A_257 : i32 to vector<16xi32>
    %add3A_259 = arith.addi %mul3A_250, %add3A_258 : vector<16xi32>
    tpu.vector_store_idx %arg8[%add3A_259], %mul3A_243 : memref<640xf32, #tpu.memory_space<vmem>>[vector<16xi32>], vector<16xf32>,
    %get3A_260 = arith.constant 64 : index
    %get3A_261 = tpu.vector_load %arg7[%get3A_260] {strides = array<i32>} : memref<160xi32, #tpu.memory_space<vmem>>, vector<16xi32>,
    %mul3A_262 = arith.constant 4 : i32
    %mul3A_263 = vector.broadcast %mul3A_262 : i32 to vector<16xi32>
    %mul3A_264 = arith.muli %get3A_261, %mul3A_263 : vector<16xi32>
    %gather3A_265 = tpu.vector_load_idx %arg6[%mul3A_264] : memref<80000xf32, #tpu.memory_space<vmem>>[vector<16xi32>], vector<16xf32>,
    %add3A_266 = arith.constant 1 : i32
    %add3A_267 = vector.broadcast %add3A_266 : i32 to vector<16xi32>
    %add3A_268 = arith.addi %mul3A_264, %add3A_267 : vector<16xi32>
    %gather3A_269 = tpu.vector_load_idx %arg6[%add3A_268] : memref<80000xf32, #tpu.memory_space<vmem>>[vector<16xi32>], vector<16xf32>,
    %add3A_270 = arith.constant 2 : i32
    %add3A_271 = vector.broadcast %add3A_270 : i32 to vector<16xi32>
    %add3A_272 = arith.addi %mul3A_264, %add3A_271 : vector<16xi32>
    %gather3A_273 = tpu.vector_load_idx %arg6[%add3A_272] : memref<80000xf32, #tpu.memory_space<vmem>>[vector<16xi32>], vector<16xf32>,
    %add3A_274 = arith.constant 3 : i32
    %add3A_275 = vector.broadcast %add3A_274 : i32 to vector<16xi32>
    %add3A_276 = arith.addi %mul3A_264, %add3A_275 : vector<16xi32>
    %gather3A_277 = tpu.vector_load_idx %arg6[%add3A_276] : memref<80000xf32, #tpu.memory_space<vmem>>[vector<16xi32>], vector<16xf32>,
    %mul3A_278 = arith.constant 5.000000e-01 : f32
    %mul3A_279 = vector.broadcast %mul3A_278 : f32 to vector<16xf32>
    %mul3A_280 = arith.mulf %mul3A_279, %gather3A_273 : vector<16xf32>
    %sub3A_281 = arith.subf %gather3A_265, %mul3A_280 : vector<16xf32>
    %mul3A_282 = arith.mulf %sub3A_281, %gather3A : vector<16xf32>
    %mul3A_283 = arith.constant 5.000000e-01 : f32
    %mul3A_284 = vector.broadcast %mul3A_283 : f32 to vector<16xf32>
    %mul3A_285 = arith.mulf %mul3A_284, %gather3A_277 : vector<16xf32>
    %sub3A_286 = arith.subf %gather3A_269, %mul3A_285 : vector<16xf32>
    %mul3A_287 = arith.mulf %sub3A_286, %gather3A_45 : vector<16xf32>
    %mul3A_288 = arith.constant 5.000000e-01 : f32
    %mul3A_289 = vector.broadcast %mul3A_288 : f32 to vector<16xf32>
    %mul3A_290 = arith.mulf %mul3A_289, %gather3A_273 : vector<16xf32>
    %add3A_291 = arith.addf %gather3A_265, %mul3A_290 : vector<16xf32>
    %mul3A_292 = arith.mulf %add3A_291, %gather3A : vector<16xf32>
    %mul3A_293 = arith.constant 5.000000e-01 : f32
    %mul3A_294 = vector.broadcast %mul3A_293 : f32 to vector<16xf32>
    %mul3A_295 = arith.mulf %mul3A_294, %gather3A_277 : vector<16xf32>
    %add3A_296 = arith.addf %gather3A_269, %mul3A_295 : vector<16xf32>
    %mul3A_297 = arith.mulf %add3A_296, %gather3A_45 : vector<16xf32>
    %iota3A_298 = tpu.iota {dimensions = array<i32: 0>} : vector<16xi32>
    %add3A_299 = arith.constant 64 : i32
    %add3A_300 = vector.broadcast %add3A_299 : i32 to vector<16xi32>
    %add3A_301 = arith.addi %iota3A_298, %add3A_300 : vector<16xi32>
    %mul3A_302 = arith.constant 4 : i32
    %mul3A_303 = vector.broadcast %mul3A_302 : i32 to vector<16xi32>
    %mul3A_304 = arith.muli %add3A_301, %mul3A_303 : vector<16xi32>
    tpu.vector_store_idx %arg8[%mul3A_304], %mul3A_282 : memref<640xf32, #tpu.memory_space<vmem>>[vector<16xi32>], vector<16xf32>,
    %add3A_305 = arith.constant 1 : i32
    %add3A_306 = vector.broadcast %add3A_305 : i32 to vector<16xi32>
    %add3A_307 = arith.addi %mul3A_304, %add3A_306 : vector<16xi32>
    tpu.vector_store_idx %arg8[%add3A_307], %mul3A_287 : memref<640xf32, #tpu.memory_space<vmem>>[vector<16xi32>], vector<16xf32>,
    %add3A_308 = arith.constant 2 : i32
    %add3A_309 = vector.broadcast %add3A_308 : i32 to vector<16xi32>
    %add3A_310 = arith.addi %mul3A_304, %add3A_309 : vector<16xi32>
    tpu.vector_store_idx %arg8[%add3A_310], %mul3A_292 : memref<640xf32, #tpu.memory_space<vmem>>[vector<16xi32>], vector<16xf32>,
    %add3A_311 = arith.constant 3 : i32
    %add3A_312 = vector.broadcast %add3A_311 : i32 to vector<16xi32>
    %add3A_313 = arith.addi %mul3A_304, %add3A_312 : vector<16xi32>
    tpu.vector_store_idx %arg8[%add3A_313], %mul3A_297 : memref<640xf32, #tpu.memory_space<vmem>>[vector<16xi32>], vector<16xf32>,
    %get3A_314 = arith.constant 80 : index
    %get3A_315 = tpu.vector_load %arg7[%get3A_314] {strides = array<i32>} : memref<160xi32, #tpu.memory_space<vmem>>, vector<16xi32>,
    %mul3A_316 = arith.constant 4 : i32
    %mul3A_317 = vector.broadcast %mul3A_316 : i32 to vector<16xi32>
    %mul3A_318 = arith.muli %get3A_315, %mul3A_317 : vector<16xi32>
    %gather3A_319 = tpu.vector_load_idx %arg6[%mul3A_318] : memref<80000xf32, #tpu.memory_space<vmem>>[vector<16xi32>], vector<16xf32>,
    %add3A_320 = arith.constant 1 : i32
    %add3A_321 = vector.broadcast %add3A_320 : i32 to vector<16xi32>
    %add3A_322 = arith.addi %mul3A_318, %add3A_321 : vector<16xi32>
    %gather3A_323 = tpu.vector_load_idx %arg6[%add3A_322] : memref<80000xf32, #tpu.memory_space<vmem>>[vector<16xi32>], vector<16xf32>,
    %add3A_324 = arith.constant 2 : i32
    %add3A_325 = vector.broadcast %add3A_324 : i32 to vector<16xi32>
    %add3A_326 = arith.addi %mul3A_318, %add3A_325 : vector<16xi32>
    %gather3A_327 = tpu.vector_load_idx %arg6[%add3A_326] : memref<80000xf32, #tpu.memory_space<vmem>>[vector<16xi32>], vector<16xf32>,
    %add3A_328 = arith.constant 3 : i32
    %add3A_329 = vector.broadcast %add3A_328 : i32 to vector<16xi32>
    %add3A_330 = arith.addi %mul3A_318, %add3A_329 : vector<16xi32>
    %gather3A_331 = tpu.vector_load_idx %arg6[%add3A_330] : memref<80000xf32, #tpu.memory_space<vmem>>[vector<16xi32>], vector<16xf32>,
    %mul3A_332 = arith.constant 5.000000e-01 : f32
    %mul3A_333 = vector.broadcast %mul3A_332 : f32 to vector<16xf32>
    %mul3A_334 = arith.mulf %mul3A_333, %gather3A_327 : vector<16xf32>
    %sub3A_335 = arith.subf %gather3A_319, %mul3A_334 : vector<16xf32>
    %mul3A_336 = arith.mulf %sub3A_335, %gather3A : vector<16xf32>
    %mul3A_337 = arith.constant 5.000000e-01 : f32
    %mul3A_338 = vector.broadcast %mul3A_337 : f32 to vector<16xf32>
    %mul3A_339 = arith.mulf %mul3A_338, %gather3A_331 : vector<16xf32>
    %sub3A_340 = arith.subf %gather3A_323, %mul3A_339 : vector<16xf32>
    %mul3A_341 = arith.mulf %sub3A_340, %gather3A_45 : vector<16xf32>
    %mul3A_342 = arith.constant 5.000000e-01 : f32
    %mul3A_343 = vector.broadcast %mul3A_342 : f32 to vector<16xf32>
    %mul3A_344 = arith.mulf %mul3A_343, %gather3A_327 : vector<16xf32>
    %add3A_345 = arith.addf %gather3A_319, %mul3A_344 : vector<16xf32>
    %mul3A_346 = arith.mulf %add3A_345, %gather3A : vector<16xf32>
    %mul3A_347 = arith.constant 5.000000e-01 : f32
    %mul3A_348 = vector.broadcast %mul3A_347 : f32 to vector<16xf32>
    %mul3A_349 = arith.mulf %mul3A_348, %gather3A_331 : vector<16xf32>
    %add3A_350 = arith.addf %gather3A_323, %mul3A_349 : vector<16xf32>
    %mul3A_351 = arith.mulf %add3A_350, %gather3A_45 : vector<16xf32>
    %iota3A_352 = tpu.iota {dimensions = array<i32: 0>} : vector<16xi32>
    %add3A_353 = arith.constant 80 : i32
    %add3A_354 = vector.broadcast %add3A_353 : i32 to vector<16xi32>
    %add3A_355 = arith.addi %iota3A_352, %add3A_354 : vector<16xi32>
    %mul3A_356 = arith.constant 4 : i32
    %mul3A_357 = vector.broadcast %mul3A_356 : i32 to vector<16xi32>
    %mul3A_358 = arith.muli %add3A_355, %mul3A_357 : vector<16xi32>
    tpu.vector_store_idx %arg8[%mul3A_358], %mul3A_336 : memref<640xf32, #tpu.memory_space<vmem>>[vector<16xi32>], vector<16xf32>,
    %add3A_359 = arith.constant 1 : i32
    %add3A_360 = vector.broadcast %add3A_359 : i32 to vector<16xi32>
    %add3A_361 = arith.addi %mul3A_358, %add3A_360 : vector<16xi32>
    tpu.vector_store_idx %arg8[%add3A_361], %mul3A_341 : memref<640xf32, #tpu.memory_space<vmem>>[vector<16xi32>], vector<16xf32>,
    %add3A_362 = arith.constant 2 : i32
    %add3A_363 = vector.broadcast %add3A_362 : i32 to vector<16xi32>
    %add3A_364 = arith.addi %mul3A_358, %add3A_363 : vector<16xi32>
    tpu.vector_store_idx %arg8[%add3A_364], %mul3A_346 : memref<640xf32, #tpu.memory_space<vmem>>[vector<16xi32>], vector<16xf32>,
    %add3A_365 = arith.constant 3 : i32
    %add3A_366 = vector.broadcast %add3A_365 : i32 to vector<16xi32>
    %add3A_367 = arith.addi %mul3A_358, %add3A_366 : vector<16xi32>
    tpu.vector_store_idx %arg8[%add3A_367], %mul3A_351 : memref<640xf32, #tpu.memory_space<vmem>>[vector<16xi32>], vector<16xf32>,
    %get3A_368 = arith.constant 96 : index
    %get3A_369 = tpu.vector_load %arg7[%get3A_368] {strides = array<i32>} : memref<160xi32, #tpu.memory_space<vmem>>, vector<16xi32>,
    %mul3A_370 = arith.constant 4 : i32
    %mul3A_371 = vector.broadcast %mul3A_370 : i32 to vector<16xi32>
    %mul3A_372 = arith.muli %get3A_369, %mul3A_371 : vector<16xi32>
    %gather3A_373 = tpu.vector_load_idx %arg6[%mul3A_372] : memref<80000xf32, #tpu.memory_space<vmem>>[vector<16xi32>], vector<16xf32>,
    %add3A_374 = arith.constant 1 : i32
    %add3A_375 = vector.broadcast %add3A_374 : i32 to vector<16xi32>
    %add3A_376 = arith.addi %mul3A_372, %add3A_375 : vector<16xi32>
    %gather3A_377 = tpu.vector_load_idx %arg6[%add3A_376] : memref<80000xf32, #tpu.memory_space<vmem>>[vector<16xi32>], vector<16xf32>,
    %add3A_378 = arith.constant 2 : i32
    %add3A_379 = vector.broadcast %add3A_378 : i32 to vector<16xi32>
    %add3A_380 = arith.addi %mul3A_372, %add3A_379 : vector<16xi32>
    %gather3A_381 = tpu.vector_load_idx %arg6[%add3A_380] : memref<80000xf32, #tpu.memory_space<vmem>>[vector<16xi32>], vector<16xf32>,
    %add3A_382 = arith.constant 3 : i32
    %add3A_383 = vector.broadcast %add3A_382 : i32 to vector<16xi32>
    %add3A_384 = arith.addi %mul3A_372, %add3A_383 : vector<16xi32>
    %gather3A_385 = tpu.vector_load_idx %arg6[%add3A_384] : memref<80000xf32, #tpu.memory_space<vmem>>[vector<16xi32>], vector<16xf32>,
    %mul3A_386 = arith.constant 5.000000e-01 : f32
    %mul3A_387 = vector.broadcast %mul3A_386 : f32 to vector<16xf32>
    %mul3A_388 = arith.mulf %mul3A_387, %gather3A_381 : vector<16xf32>
    %sub3A_389 = arith.subf %gather3A_373, %mul3A_388 : vector<16xf32>
    %mul3A_390 = arith.mulf %sub3A_389, %gather3A : vector<16xf32>
    %mul3A_391 = arith.constant 5.000000e-01 : f32
    %mul3A_392 = vector.broadcast %mul3A_391 : f32 to vector<16xf32>
    %mul3A_393 = arith.mulf %mul3A_392, %gather3A_385 : vector<16xf32>
    %sub3A_394 = arith.subf %gather3A_377, %mul3A_393 : vector<16xf32>
    %mul3A_395 = arith.mulf %sub3A_394, %gather3A_45 : vector<16xf32>
    %mul3A_396 = arith.constant 5.000000e-01 : f32
    %mul3A_397 = vector.broadcast %mul3A_396 : f32 to vector<16xf32>
    %mul3A_398 = arith.mulf %mul3A_397, %gather3A_381 : vector<16xf32>
    %add3A_399 = arith.addf %gather3A_373, %mul3A_398 : vector<16xf32>
    %mul3A_400 = arith.mulf %add3A_399, %gather3A : vector<16xf32>
    %mul3A_401 = arith.constant 5.000000e-01 : f32
    %mul3A_402 = vector.broadcast %mul3A_401 : f32 to vector<16xf32>
    %mul3A_403 = arith.mulf %mul3A_402, %gather3A_385 : vector<16xf32>
    %add3A_404 = arith.addf %gather3A_377, %mul3A_403 : vector<16xf32>
    %mul3A_405 = arith.mulf %add3A_404, %gather3A_45 : vector<16xf32>
    %iota3A_406 = tpu.iota {dimensions = array<i32: 0>} : vector<16xi32>
    %add3A_407 = arith.constant 96 : i32
    %add3A_408 = vector.broadcast %add3A_407 : i32 to vector<16xi32>
    %add3A_409 = arith.addi %iota3A_406, %add3A_408 : vector<16xi32>
    %mul3A_410 = arith.constant 4 : i32
    %mul3A_411 = vector.broadcast %mul3A_410 : i32 to vector<16xi32>
    %mul3A_412 = arith.muli %add3A_409, %mul3A_411 : vector<16xi32>
    tpu.vector_store_idx %arg8[%mul3A_412], %mul3A_390 : memref<640xf32, #tpu.memory_space<vmem>>[vector<16xi32>], vector<16xf32>,
    %add3A_413 = arith.constant 1 : i32
    %add3A_414 = vector.broadcast %add3A_413 : i32 to vector<16xi32>
    %add3A_415 = arith.addi %mul3A_412, %add3A_414 : vector<16xi32>
    tpu.vector_store_idx %arg8[%add3A_415], %mul3A_395 : memref<640xf32, #tpu.memory_space<vmem>>[vector<16xi32>], vector<16xf32>,
    %add3A_416 = arith.constant 2 : i32
    %add3A_417 = vector.broadcast %add3A_416 : i32 to vector<16xi32>
    %add3A_418 = arith.addi %mul3A_412, %add3A_417 : vector<16xi32>
    tpu.vector_store_idx %arg8[%add3A_418], %mul3A_400 : memref<640xf32, #tpu.memory_space<vmem>>[vector<16xi32>], vector<16xf32>,
    %add3A_419 = arith.constant 3 : i32
    %add3A_420 = vector.broadcast %add3A_419 : i32 to vector<16xi32>
    %add3A_421 = arith.addi %mul3A_412, %add3A_420 : vector<16xi32>
    tpu.vector_store_idx %arg8[%add3A_421], %mul3A_405 : memref<640xf32, #tpu.memory_space<vmem>>[vector<16xi32>], vector<16xf32>,
    %get3A_422 = arith.constant 112 : index
    %get3A_423 = tpu.vector_load %arg7[%get3A_422] {strides = array<i32>} : memref<160xi32, #tpu.memory_space<vmem>>, vector<16xi32>,
    %mul3A_424 = arith.constant 4 : i32
    %mul3A_425 = vector.broadcast %mul3A_424 : i32 to vector<16xi32>
    %mul3A_426 = arith.muli %get3A_423, %mul3A_425 : vector<16xi32>
    %gather3A_427 = tpu.vector_load_idx %arg6[%mul3A_426] : memref<80000xf32, #tpu.memory_space<vmem>>[vector<16xi32>], vector<16xf32>,
    %add3A_428 = arith.constant 1 : i32
    %add3A_429 = vector.broadcast %add3A_428 : i32 to vector<16xi32>
    %add3A_430 = arith.addi %mul3A_426, %add3A_429 : vector<16xi32>
    %gather3A_431 = tpu.vector_load_idx %arg6[%add3A_430] : memref<80000xf32, #tpu.memory_space<vmem>>[vector<16xi32>], vector<16xf32>,
    %add3A_432 = arith.constant 2 : i32
    %add3A_433 = vector.broadcast %add3A_432 : i32 to vector<16xi32>
    %add3A_434 = arith.addi %mul3A_426, %add3A_433 : vector<16xi32>
    %gather3A_435 = tpu.vector_load_idx %arg6[%add3A_434] : memref<80000xf32, #tpu.memory_space<vmem>>[vector<16xi32>], vector<16xf32>,
    %add3A_436 = arith.constant 3 : i32
    %add3A_437 = vector.broadcast %add3A_436 : i32 to vector<16xi32>
    %add3A_438 = arith.addi %mul3A_426, %add3A_437 : vector<16xi32>
    %gather3A_439 = tpu.vector_load_idx %arg6[%add3A_438] : memref<80000xf32, #tpu.memory_space<vmem>>[vector<16xi32>], vector<16xf32>,
    %mul3A_440 = arith.constant 5.000000e-01 : f32
    %mul3A_441 = vector.broadcast %mul3A_440 : f32 to vector<16xf32>
    %mul3A_442 = arith.mulf %mul3A_441, %gather3A_435 : vector<16xf32>
    %sub3A_443 = arith.subf %gather3A_427, %mul3A_442 : vector<16xf32>
    %mul3A_444 = arith.mulf %sub3A_443, %gather3A : vector<16xf32>
    %mul3A_445 = arith.constant 5.000000e-01 : f32
    %mul3A_446 = vector.broadcast %mul3A_445 : f32 to vector<16xf32>
    %mul3A_447 = arith.mulf %mul3A_446, %gather3A_439 : vector<16xf32>
    %sub3A_448 = arith.subf %gather3A_431, %mul3A_447 : vector<16xf32>
    %mul3A_449 = arith.mulf %sub3A_448, %gather3A_45 : vector<16xf32>
    %mul3A_450 = arith.constant 5.000000e-01 : f32
    %mul3A_451 = vector.broadcast %mul3A_450 : f32 to vector<16xf32>
    %mul3A_452 = arith.mulf %mul3A_451, %gather3A_435 : vector<16xf32>
    %add3A_453 = arith.addf %gather3A_427, %mul3A_452 : vector<16xf32>
    %mul3A_454 = arith.mulf %add3A_453, %gather3A : vector<16xf32>
    %mul3A_455 = arith.constant 5.000000e-01 : f32
    %mul3A_456 = vector.broadcast %mul3A_455 : f32 to vector<16xf32>
    %mul3A_457 = arith.mulf %mul3A_456, %gather3A_439 : vector<16xf32>
    %add3A_458 = arith.addf %gather3A_431, %mul3A_457 : vector<16xf32>
    %mul3A_459 = arith.mulf %add3A_458, %gather3A_45 : vector<16xf32>
    %iota3A_460 = tpu.iota {dimensions = array<i32: 0>} : vector<16xi32>
    %add3A_461 = arith.constant 112 : i32
    %add3A_462 = vector.broadcast %add3A_461 : i32 to vector<16xi32>
    %add3A_463 = arith.addi %iota3A_460, %add3A_462 : vector<16xi32>
    %mul3A_464 = arith.constant 4 : i32
    %mul3A_465 = vector.broadcast %mul3A_464 : i32 to vector<16xi32>
    %mul3A_466 = arith.muli %add3A_463, %mul3A_465 : vector<16xi32>
    tpu.vector_store_idx %arg8[%mul3A_466], %mul3A_444 : memref<640xf32, #tpu.memory_space<vmem>>[vector<16xi32>], vector<16xf32>,
    %add3A_467 = arith.constant 1 : i32
    %add3A_468 = vector.broadcast %add3A_467 : i32 to vector<16xi32>
    %add3A_469 = arith.addi %mul3A_466, %add3A_468 : vector<16xi32>
    tpu.vector_store_idx %arg8[%add3A_469], %mul3A_449 : memref<640xf32, #tpu.memory_space<vmem>>[vector<16xi32>], vector<16xf32>,
    %add3A_470 = arith.constant 2 : i32
    %add3A_471 = vector.broadcast %add3A_470 : i32 to vector<16xi32>
    %add3A_472 = arith.addi %mul3A_466, %add3A_471 : vector<16xi32>
    tpu.vector_store_idx %arg8[%add3A_472], %mul3A_454 : memref<640xf32, #tpu.memory_space<vmem>>[vector<16xi32>], vector<16xf32>,
    %add3A_473 = arith.constant 3 : i32
    %add3A_474 = vector.broadcast %add3A_473 : i32 to vector<16xi32>
    %add3A_475 = arith.addi %mul3A_466, %add3A_474 : vector<16xi32>
    tpu.vector_store_idx %arg8[%add3A_475], %mul3A_459 : memref<640xf32, #tpu.memory_space<vmem>>[vector<16xi32>], vector<16xf32>,
    %get3A_476 = arith.constant 128 : index
    %get3A_477 = tpu.vector_load %arg7[%get3A_476] {strides = array<i32>} : memref<160xi32, #tpu.memory_space<vmem>>, vector<16xi32>,
    %mul3A_478 = arith.constant 4 : i32
    %mul3A_479 = vector.broadcast %mul3A_478 : i32 to vector<16xi32>
    %mul3A_480 = arith.muli %get3A_477, %mul3A_479 : vector<16xi32>
    %gather3A_481 = tpu.vector_load_idx %arg6[%mul3A_480] : memref<80000xf32, #tpu.memory_space<vmem>>[vector<16xi32>], vector<16xf32>,
    %add3A_482 = arith.constant 1 : i32
    %add3A_483 = vector.broadcast %add3A_482 : i32 to vector<16xi32>
    %add3A_484 = arith.addi %mul3A_480, %add3A_483 : vector<16xi32>
    %gather3A_485 = tpu.vector_load_idx %arg6[%add3A_484] : memref<80000xf32, #tpu.memory_space<vmem>>[vector<16xi32>], vector<16xf32>,
    %add3A_486 = arith.constant 2 : i32
    %add3A_487 = vector.broadcast %add3A_486 : i32 to vector<16xi32>
    %add3A_488 = arith.addi %mul3A_480, %add3A_487 : vector<16xi32>
    %gather3A_489 = tpu.vector_load_idx %arg6[%add3A_488] : memref<80000xf32, #tpu.memory_space<vmem>>[vector<16xi32>], vector<16xf32>,
    %add3A_490 = arith.constant 3 : i32
    %add3A_491 = vector.broadcast %add3A_490 : i32 to vector<16xi32>
    %add3A_492 = arith.addi %mul3A_480, %add3A_491 : vector<16xi32>
    %gather3A_493 = tpu.vector_load_idx %arg6[%add3A_492] : memref<80000xf32, #tpu.memory_space<vmem>>[vector<16xi32>], vector<16xf32>,
    %mul3A_494 = arith.constant 5.000000e-01 : f32
    %mul3A_495 = vector.broadcast %mul3A_494 : f32 to vector<16xf32>
    %mul3A_496 = arith.mulf %mul3A_495, %gather3A_489 : vector<16xf32>
    %sub3A_497 = arith.subf %gather3A_481, %mul3A_496 : vector<16xf32>
    %mul3A_498 = arith.mulf %sub3A_497, %gather3A : vector<16xf32>
    %mul3A_499 = arith.constant 5.000000e-01 : f32
    %mul3A_500 = vector.broadcast %mul3A_499 : f32 to vector<16xf32>
    %mul3A_501 = arith.mulf %mul3A_500, %gather3A_493 : vector<16xf32>
    %sub3A_502 = arith.subf %gather3A_485, %mul3A_501 : vector<16xf32>
    %mul3A_503 = arith.mulf %sub3A_502, %gather3A_45 : vector<16xf32>
    %mul3A_504 = arith.constant 5.000000e-01 : f32
    %mul3A_505 = vector.broadcast %mul3A_504 : f32 to vector<16xf32>
    %mul3A_506 = arith.mulf %mul3A_505, %gather3A_489 : vector<16xf32>
    %add3A_507 = arith.addf %gather3A_481, %mul3A_506 : vector<16xf32>
    %mul3A_508 = arith.mulf %add3A_507, %gather3A : vector<16xf32>
    %mul3A_509 = arith.constant 5.000000e-01 : f32
    %mul3A_510 = vector.broadcast %mul3A_509 : f32 to vector<16xf32>
    %mul3A_511 = arith.mulf %mul3A_510, %gather3A_493 : vector<16xf32>
    %add3A_512 = arith.addf %gather3A_485, %mul3A_511 : vector<16xf32>
    %mul3A_513 = arith.mulf %add3A_512, %gather3A_45 : vector<16xf32>
    %iota3A_514 = tpu.iota {dimensions = array<i32: 0>} : vector<16xi32>
    %add3A_515 = arith.constant 128 : i32
    %add3A_516 = vector.broadcast %add3A_515 : i32 to vector<16xi32>
    %add3A_517 = arith.addi %iota3A_514, %add3A_516 : vector<16xi32>
    %mul3A_518 = arith.constant 4 : i32
    %mul3A_519 = vector.broadcast %mul3A_518 : i32 to vector<16xi32>
    %mul3A_520 = arith.muli %add3A_517, %mul3A_519 : vector<16xi32>
    tpu.vector_store_idx %arg8[%mul3A_520], %mul3A_498 : memref<640xf32, #tpu.memory_space<vmem>>[vector<16xi32>], vector<16xf32>,
    %add3A_521 = arith.constant 1 : i32
    %add3A_522 = vector.broadcast %add3A_521 : i32 to vector<16xi32>
    %add3A_523 = arith.addi %mul3A_520, %add3A_522 : vector<16xi32>
    tpu.vector_store_idx %arg8[%add3A_523], %mul3A_503 : memref<640xf32, #tpu.memory_space<vmem>>[vector<16xi32>], vector<16xf32>,
    %add3A_524 = arith.constant 2 : i32
    %add3A_525 = vector.broadcast %add3A_524 : i32 to vector<16xi32>
    %add3A_526 = arith.addi %mul3A_520, %add3A_525 : vector<16xi32>
    tpu.vector_store_idx %arg8[%add3A_526], %mul3A_508 : memref<640xf32, #tpu.memory_space<vmem>>[vector<16xi32>], vector<16xf32>,
    %add3A_527 = arith.constant 3 : i32
    %add3A_528 = vector.broadcast %add3A_527 : i32 to vector<16xi32>
    %add3A_529 = arith.addi %mul3A_520, %add3A_528 : vector<16xi32>
    tpu.vector_store_idx %arg8[%add3A_529], %mul3A_513 : memref<640xf32, #tpu.memory_space<vmem>>[vector<16xi32>], vector<16xf32>,
    %get3A_530 = arith.constant 144 : index
    %get3A_531 = tpu.vector_load %arg7[%get3A_530] {strides = array<i32>} : memref<160xi32, #tpu.memory_space<vmem>>, vector<16xi32>,
    %mul3A_532 = arith.constant 4 : i32
    %mul3A_533 = vector.broadcast %mul3A_532 : i32 to vector<16xi32>
    %mul3A_534 = arith.muli %get3A_531, %mul3A_533 : vector<16xi32>
    %gather3A_535 = tpu.vector_load_idx %arg6[%mul3A_534] : memref<80000xf32, #tpu.memory_space<vmem>>[vector<16xi32>], vector<16xf32>,
    %add3A_536 = arith.constant 1 : i32
    %add3A_537 = vector.broadcast %add3A_536 : i32 to vector<16xi32>
    %add3A_538 = arith.addi %mul3A_534, %add3A_537 : vector<16xi32>
    %gather3A_539 = tpu.vector_load_idx %arg6[%add3A_538] : memref<80000xf32, #tpu.memory_space<vmem>>[vector<16xi32>], vector<16xf32>,
    %add3A_540 = arith.constant 2 : i32
    %add3A_541 = vector.broadcast %add3A_540 : i32 to vector<16xi32>
    %add3A_542 = arith.addi %mul3A_534, %add3A_541 : vector<16xi32>
    %gather3A_543 = tpu.vector_load_idx %arg6[%add3A_542] : memref<80000xf32, #tpu.memory_space<vmem>>[vector<16xi32>], vector<16xf32>,
    %add3A_544 = arith.constant 3 : i32
    %add3A_545 = vector.broadcast %add3A_544 : i32 to vector<16xi32>
    %add3A_546 = arith.addi %mul3A_534, %add3A_545 : vector<16xi32>
    %gather3A_547 = tpu.vector_load_idx %arg6[%add3A_546] : memref<80000xf32, #tpu.memory_space<vmem>>[vector<16xi32>], vector<16xf32>,
    %mul3A_548 = arith.constant 5.000000e-01 : f32
    %mul3A_549 = vector.broadcast %mul3A_548 : f32 to vector<16xf32>
    %mul3A_550 = arith.mulf %mul3A_549, %gather3A_543 : vector<16xf32>
    %sub3A_551 = arith.subf %gather3A_535, %mul3A_550 : vector<16xf32>
    %mul3A_552 = arith.mulf %sub3A_551, %gather3A : vector<16xf32>
    %mul3A_553 = arith.constant 5.000000e-01 : f32
    %mul3A_554 = vector.broadcast %mul3A_553 : f32 to vector<16xf32>
    %mul3A_555 = arith.mulf %mul3A_554, %gather3A_547 : vector<16xf32>
    %sub3A_556 = arith.subf %gather3A_539, %mul3A_555 : vector<16xf32>
    %mul3A_557 = arith.mulf %sub3A_556, %gather3A_45 : vector<16xf32>
    %mul3A_558 = arith.constant 5.000000e-01 : f32
    %mul3A_559 = vector.broadcast %mul3A_558 : f32 to vector<16xf32>
    %mul3A_560 = arith.mulf %mul3A_559, %gather3A_543 : vector<16xf32>
    %add3A_561 = arith.addf %gather3A_535, %mul3A_560 : vector<16xf32>
    %mul3A_562 = arith.mulf %add3A_561, %gather3A : vector<16xf32>
    %mul3A_563 = arith.constant 5.000000e-01 : f32
    %mul3A_564 = vector.broadcast %mul3A_563 : f32 to vector<16xf32>
    %mul3A_565 = arith.mulf %mul3A_564, %gather3A_547 : vector<16xf32>
    %add3A_566 = arith.addf %gather3A_539, %mul3A_565 : vector<16xf32>
    %mul3A_567 = arith.mulf %add3A_566, %gather3A_45 : vector<16xf32>
    %iota3A_568 = tpu.iota {dimensions = array<i32: 0>} : vector<16xi32>
    %add3A_569 = arith.constant 144 : i32
    %add3A_570 = vector.broadcast %add3A_569 : i32 to vector<16xi32>
    %add3A_571 = arith.addi %iota3A_568, %add3A_570 : vector<16xi32>
    %mul3A_572 = arith.constant 4 : i32
    %mul3A_573 = vector.broadcast %mul3A_572 : i32 to vector<16xi32>
    %mul3A_574 = arith.muli %add3A_571, %mul3A_573 : vector<16xi32>
    tpu.vector_store_idx %arg8[%mul3A_574], %mul3A_552 : memref<640xf32, #tpu.memory_space<vmem>>[vector<16xi32>], vector<16xf32>,
    %add3A_575 = arith.constant 1 : i32
    %add3A_576 = vector.broadcast %add3A_575 : i32 to vector<16xi32>
    %add3A_577 = arith.addi %mul3A_574, %add3A_576 : vector<16xi32>
    tpu.vector_store_idx %arg8[%add3A_577], %mul3A_557 : memref<640xf32, #tpu.memory_space<vmem>>[vector<16xi32>], vector<16xf32>,
    %add3A_578 = arith.constant 2 : i32
    %add3A_579 = vector.broadcast %add3A_578 : i32 to vector<16xi32>
    %add3A_580 = arith.addi %mul3A_574, %add3A_579 : vector<16xi32>
    tpu.vector_store_idx %arg8[%add3A_580], %mul3A_562 : memref<640xf32, #tpu.memory_space<vmem>>[vector<16xi32>], vector<16xf32>,
    %add3A_581 = arith.constant 3 : i32
    %add3A_582 = vector.broadcast %add3A_581 : i32 to vector<16xi32>
    %add3A_583 = arith.addi %mul3A_574, %add3A_582 : vector<16xi32>
    tpu.vector_store_idx %arg8[%add3A_583], %mul3A_567 : memref<640xf32, #tpu.memory_space<vmem>>[vector<16xi32>], vector<16xf32>,
    %mul3A_584 = arith.constant 320 : i32
    %mul3A_585 = arith.muli %select_n3A, %mul3A_584 : i32
    %mul3A_586 = arith.constant 160 : i32
    %mul3A_587 = arith.muli %select_n3A_30, %mul3A_586 : i32
    %add3A_588 = arith.addi %mul3A_585, %mul3A_587 : i32
    %mul3A_589 = arith.constant 4 : i32
    %mul3A_590 = arith.muli %add3A_588, %mul3A_589 : i32
    "tpu.region"() ({
      %run_scoped3A = tpu.sem_alloc : memref<!tpu.dma_semaphore, #tpu.memory_space<semaphore_mem>>
      %dma_start3A = tpu.memref_slice %arg5[%mul3A_590] : memref<20480xf32, #tpu.memory_space<hbm>> -> memref<640xf32, #tpu.memory_space<hbm>>
      %dma_start3A_591 = tpu.memref_slice %arg5[%mul3A_590] : memref<20480xf32, #tpu.memory_space<hbm>> -> memref<640xf32, #tpu.memory_space<hbm>>
      tpu.enqueue_dma source(%arg8 : memref<640xf32, #tpu.memory_space<vmem>>) target(%dma_start3A_591 : memref<640xf32, #tpu.memory_space<hbm>>) target_semaphore(%run_scoped3A : memref<!tpu.dma_semaphore, #tpu.memory_space<semaphore_mem>>)
      %dma_wait3A = tpu.memref_slice %arg5[%mul3A_590] : memref<20480xf32, #tpu.memory_space<hbm>> -> memref<640xf32, #tpu.memory_space<hbm>>
      %dma_wait3A_592 = tpu.memref_slice %arg5[%mul3A_590] : memref<20480xf32, #tpu.memory_space<hbm>> -> memref<640xf32, #tpu.memory_space<hbm>>
      tpu.wait_dma2 semaphore(%run_scoped3A : memref<!tpu.dma_semaphore, #tpu.memory_space<semaphore_mem>>) src(%arg8 : memref<640xf32, #tpu.memory_space<vmem>>) dst(%dma_wait3A_592 : memref<640xf32, #tpu.memory_space<hbm>>)
      tpu.yield
    }) : () -> ()
    return
  }
}

module attributes {stable_mosaic.version = 14 : i64} {
  func.func @_topk_kernel(%arg0: i32, %arg1: memref<1x12500x128xf32, #tpu.memory_space<vmem>>, %arg2: memref<1x1x300xi32, #tpu.memory_space<vmem>>, %arg3: memref<1x1x300xi32, #tpu.memory_space<vmem>>, %arg4: memref<1x1x300xf32, #tpu.memory_space<vmem>>, %arg5: memref<12544x128xf32, #tpu.memory_space<vmem>>, %arg6: memref<25x8x128xf32, #tpu.memory_space<vmem>>, %arg7: memref<25x8x128xi32, #tpu.memory_space<vmem>>) attributes {dimension_semantics = [#tpu.dimension_semantics<arbitrary>], iteration_bounds = array<i64: 16>, scalar_prefetch = 0 : i64, scratch_operands = 3 : i64, tpu.core_type = #tpu.core_type<tc>, window_params = [{transform_indices = @transform_0, window_bounds = array<i64: 1, 12500, 128>}, {transform_indices = @transform_1, window_bounds = array<i64: 1, 1, 300>}, {transform_indices = @transform_2, window_bounds = array<i64: 1, 1, 300>}, {transform_indices = @transform_3, window_bounds = array<i64: 1, 1, 300>}]} {
    %scan3A = arith.constant 0 : i32
    %scan3A_0 = arith.constant 24 : i32
    %scan3A_1 = arith.addi %scan3A, %scan3A_0 : i32
    %scan3A_2 = arith.constant 1 : i32
    scf.for %scan3A_218 = %scan3A to %scan3A_1 step %scan3A_2  : i32 {
      %mul3A = arith.constant 8 : i32
      %mul3A_219 = arith.muli %scan3A_218, %mul3A : i32
      %mul3A_220 = arith.constant 64 : i32
      %mul3A_221 = arith.muli %mul3A_219, %mul3A_220 : i32
      %get3A_222 = arith.constant 0 : index
      %get3A_223 = arith.index_cast %mul3A_221 : i32 to index
      %get3A_224 = arith.constant 0 : index
      %get3A_225 = vector.load %arg1[%get3A_222, %get3A_223, %get3A_224] : memref<1x12500x128xf32, #tpu.memory_space<vmem>>, vector<1x512x128xf32>
      %get3A_226 = vector.shape_cast %get3A_225 : vector<1x512x128xf32> to vector<512x128xf32>
      %logistic3A_227 = arith.negf %get3A_226 : vector<512x128xf32>
      %logistic3A_228 = math.exp %logistic3A_227 : vector<512x128xf32>
      %logistic3A_229 = arith.constant 1.000000e+00 : f32
      %logistic3A_230 = vector.broadcast %logistic3A_229 : f32 to vector<512x128xf32>
      %logistic3A_231 = arith.addf %logistic3A_230, %logistic3A_228 : vector<512x128xf32>
      %logistic3A_232 = arith.divf %logistic3A_230, %logistic3A_231 : vector<512x128xf32>
      %swap3A_233 = arith.index_cast %mul3A_221 : i32 to index
      %swap3A_234 = arith.constant 0 : index
      %swap3A_235 = vector.load %arg5[%swap3A_233, %swap3A_234] : memref<12544x128xf32, #tpu.memory_space<vmem>>, vector<512x128xf32>
      tpu.vector_store %arg5[%swap3A_233, %swap3A_234], %logistic3A_232 {strides = array<i32>} : memref<12544x128xf32, #tpu.memory_space<vmem>>, vector<512x128xf32>,
      %iota3A_236 = tpu.iota {dimensions = array<i32: 0>} : vector<64x128xi32>
      %convert_element_type3A_237 = arith.sitofp %iota3A_236 : vector<64x128xi32> to vector<64x128xf32>
      %slice3A_238 = vector.extract_strided_slice %logistic3A_232 {offsets = [0, 0], sizes = [64, 128], strides = [1, 1]} : vector<512x128xf32> to vector<64x128xf32>
      %reduce_max3A_239 = arith.constant dense<0xFF800000> : vector<128xf32>
      %reduce_max3A_240 = vector.multi_reduction <maximumf>, %slice3A_238, %reduce_max3A_239 [0] : vector<64x128xf32> to vector<128xf32>
      %broadcast_in_dim3A_241 = vector.shape_cast %reduce_max3A_240 : vector<128xf32> to vector<1x128xf32>
      %eq3A_242 = vector.broadcast %broadcast_in_dim3A_241 : vector<1x128xf32> to vector<64x128xf32>
      %eq3A_243 = arith.cmpf oeq, %slice3A_238, %eq3A_242 : vector<64x128xf32>
      %add3A_244 = arith.constant 0 : i32
      %add3A_245 = arith.addi %mul3A_221, %add3A_244 : i32
      %convert_element_type3A_246 = arith.sitofp %add3A_245 : i32 to f32
      %add3A_247 = vector.broadcast %convert_element_type3A_246 : f32 to vector<64x128xf32>
      %add3A_248 = arith.addf %convert_element_type3A_237, %add3A_247 : vector<64x128xf32>
      %jit3A_249 = arith.constant 8.000000e+06 : f32
      %broadcast_in_dim3A_250 = vector.broadcast %jit3A_249 : f32 to vector<64x128xf32>
      %select_n3A_251 = arith.select %eq3A_243, %add3A_248, %broadcast_in_dim3A_250 : vector<64x128xi1>, vector<64x128xf32>
      %reduce_min3A_252 = arith.constant dense<0x7F800000> : vector<128xf32>
      %reduce_min3A_253 = vector.multi_reduction <minimumf>, %select_n3A_251, %reduce_min3A_252 [0] : vector<64x128xf32> to vector<128xf32>
      %broadcast_in_dim3A_254 = vector.shape_cast %reduce_min3A_253 : vector<128xf32> to vector<1x128xf32>
      %slice3A_255 = vector.extract_strided_slice %logistic3A_232 {offsets = [64, 0], sizes = [64, 128], strides = [1, 1]} : vector<512x128xf32> to vector<64x128xf32>
      %reduce_max3A_256 = arith.constant dense<0xFF800000> : vector<128xf32>
      %reduce_max3A_257 = vector.multi_reduction <maximumf>, %slice3A_255, %reduce_max3A_256 [0] : vector<64x128xf32> to vector<128xf32>
      %broadcast_in_dim3A_258 = vector.shape_cast %reduce_max3A_257 : vector<128xf32> to vector<1x128xf32>
      %eq3A_259 = vector.broadcast %broadcast_in_dim3A_258 : vector<1x128xf32> to vector<64x128xf32>
      %eq3A_260 = arith.cmpf oeq, %slice3A_255, %eq3A_259 : vector<64x128xf32>
      %add3A_261 = arith.constant 64 : i32
      %add3A_262 = arith.addi %mul3A_221, %add3A_261 : i32
      %convert_element_type3A_263 = arith.sitofp %add3A_262 : i32 to f32
      %add3A_264 = vector.broadcast %convert_element_type3A_263 : f32 to vector<64x128xf32>
      %add3A_265 = arith.addf %convert_element_type3A_237, %add3A_264 : vector<64x128xf32>
      %jit3A_266 = arith.constant 8.000000e+06 : f32
      %broadcast_in_dim3A_267 = vector.broadcast %jit3A_266 : f32 to vector<64x128xf32>
      %select_n3A_268 = arith.select %eq3A_260, %add3A_265, %broadcast_in_dim3A_267 : vector<64x128xi1>, vector<64x128xf32>
      %reduce_min3A_269 = arith.constant dense<0x7F800000> : vector<128xf32>
      %reduce_min3A_270 = vector.multi_reduction <minimumf>, %select_n3A_268, %reduce_min3A_269 [0] : vector<64x128xf32> to vector<128xf32>
      %broadcast_in_dim3A_271 = vector.shape_cast %reduce_min3A_270 : vector<128xf32> to vector<1x128xf32>
      %slice3A_272 = vector.extract_strided_slice %logistic3A_232 {offsets = [128, 0], sizes = [64, 128], strides = [1, 1]} : vector<512x128xf32> to vector<64x128xf32>
      %reduce_max3A_273 = arith.constant dense<0xFF800000> : vector<128xf32>
      %reduce_max3A_274 = vector.multi_reduction <maximumf>, %slice3A_272, %reduce_max3A_273 [0] : vector<64x128xf32> to vector<128xf32>
      %broadcast_in_dim3A_275 = vector.shape_cast %reduce_max3A_274 : vector<128xf32> to vector<1x128xf32>
      %eq3A_276 = vector.broadcast %broadcast_in_dim3A_275 : vector<1x128xf32> to vector<64x128xf32>
      %eq3A_277 = arith.cmpf oeq, %slice3A_272, %eq3A_276 : vector<64x128xf32>
      %add3A_278 = arith.constant 128 : i32
      %add3A_279 = arith.addi %mul3A_221, %add3A_278 : i32
      %convert_element_type3A_280 = arith.sitofp %add3A_279 : i32 to f32
      %add3A_281 = vector.broadcast %convert_element_type3A_280 : f32 to vector<64x128xf32>
      %add3A_282 = arith.addf %convert_element_type3A_237, %add3A_281 : vector<64x128xf32>
      %jit3A_283 = arith.constant 8.000000e+06 : f32
      %broadcast_in_dim3A_284 = vector.broadcast %jit3A_283 : f32 to vector<64x128xf32>
      %select_n3A_285 = arith.select %eq3A_277, %add3A_282, %broadcast_in_dim3A_284 : vector<64x128xi1>, vector<64x128xf32>
      %reduce_min3A_286 = arith.constant dense<0x7F800000> : vector<128xf32>
      %reduce_min3A_287 = vector.multi_reduction <minimumf>, %select_n3A_285, %reduce_min3A_286 [0] : vector<64x128xf32> to vector<128xf32>
      %broadcast_in_dim3A_288 = vector.shape_cast %reduce_min3A_287 : vector<128xf32> to vector<1x128xf32>
      %slice3A_289 = vector.extract_strided_slice %logistic3A_232 {offsets = [192, 0], sizes = [64, 128], strides = [1, 1]} : vector<512x128xf32> to vector<64x128xf32>
      %reduce_max3A_290 = arith.constant dense<0xFF800000> : vector<128xf32>
      %reduce_max3A_291 = vector.multi_reduction <maximumf>, %slice3A_289, %reduce_max3A_290 [0] : vector<64x128xf32> to vector<128xf32>
      %broadcast_in_dim3A_292 = vector.shape_cast %reduce_max3A_291 : vector<128xf32> to vector<1x128xf32>
      %eq3A_293 = vector.broadcast %broadcast_in_dim3A_292 : vector<1x128xf32> to vector<64x128xf32>
      %eq3A_294 = arith.cmpf oeq, %slice3A_289, %eq3A_293 : vector<64x128xf32>
      %add3A_295 = arith.constant 192 : i32
      %add3A_296 = arith.addi %mul3A_221, %add3A_295 : i32
      %convert_element_type3A_297 = arith.sitofp %add3A_296 : i32 to f32
      %add3A_298 = vector.broadcast %convert_element_type3A_297 : f32 to vector<64x128xf32>
      %add3A_299 = arith.addf %convert_element_type3A_237, %add3A_298 : vector<64x128xf32>
      %jit3A_300 = arith.constant 8.000000e+06 : f32
      %broadcast_in_dim3A_301 = vector.broadcast %jit3A_300 : f32 to vector<64x128xf32>
      %select_n3A_302 = arith.select %eq3A_294, %add3A_299, %broadcast_in_dim3A_301 : vector<64x128xi1>, vector<64x128xf32>
      %reduce_min3A_303 = arith.constant dense<0x7F800000> : vector<128xf32>
      %reduce_min3A_304 = vector.multi_reduction <minimumf>, %select_n3A_302, %reduce_min3A_303 [0] : vector<64x128xf32> to vector<128xf32>
      %broadcast_in_dim3A_305 = vector.shape_cast %reduce_min3A_304 : vector<128xf32> to vector<1x128xf32>
      %slice3A_306 = vector.extract_strided_slice %logistic3A_232 {offsets = [256, 0], sizes = [64, 128], strides = [1, 1]} : vector<512x128xf32> to vector<64x128xf32>
      %reduce_max3A_307 = arith.constant dense<0xFF800000> : vector<128xf32>
      %reduce_max3A_308 = vector.multi_reduction <maximumf>, %slice3A_306, %reduce_max3A_307 [0] : vector<64x128xf32> to vector<128xf32>
      %broadcast_in_dim3A_309 = vector.shape_cast %reduce_max3A_308 : vector<128xf32> to vector<1x128xf32>
      %eq3A_310 = vector.broadcast %broadcast_in_dim3A_309 : vector<1x128xf32> to vector<64x128xf32>
      %eq3A_311 = arith.cmpf oeq, %slice3A_306, %eq3A_310 : vector<64x128xf32>
      %add3A_312 = arith.constant 256 : i32
      %add3A_313 = arith.addi %mul3A_221, %add3A_312 : i32
      %convert_element_type3A_314 = arith.sitofp %add3A_313 : i32 to f32
      %add3A_315 = vector.broadcast %convert_element_type3A_314 : f32 to vector<64x128xf32>
      %add3A_316 = arith.addf %convert_element_type3A_237, %add3A_315 : vector<64x128xf32>
      %jit3A_317 = arith.constant 8.000000e+06 : f32
      %broadcast_in_dim3A_318 = vector.broadcast %jit3A_317 : f32 to vector<64x128xf32>
      %select_n3A_319 = arith.select %eq3A_311, %add3A_316, %broadcast_in_dim3A_318 : vector<64x128xi1>, vector<64x128xf32>
      %reduce_min3A_320 = arith.constant dense<0x7F800000> : vector<128xf32>
      %reduce_min3A_321 = vector.multi_reduction <minimumf>, %select_n3A_319, %reduce_min3A_320 [0] : vector<64x128xf32> to vector<128xf32>
      %broadcast_in_dim3A_322 = vector.shape_cast %reduce_min3A_321 : vector<128xf32> to vector<1x128xf32>
      %slice3A_323 = vector.extract_strided_slice %logistic3A_232 {offsets = [320, 0], sizes = [64, 128], strides = [1, 1]} : vector<512x128xf32> to vector<64x128xf32>
      %reduce_max3A_324 = arith.constant dense<0xFF800000> : vector<128xf32>
      %reduce_max3A_325 = vector.multi_reduction <maximumf>, %slice3A_323, %reduce_max3A_324 [0] : vector<64x128xf32> to vector<128xf32>
      %broadcast_in_dim3A_326 = vector.shape_cast %reduce_max3A_325 : vector<128xf32> to vector<1x128xf32>
      %eq3A_327 = vector.broadcast %broadcast_in_dim3A_326 : vector<1x128xf32> to vector<64x128xf32>
      %eq3A_328 = arith.cmpf oeq, %slice3A_323, %eq3A_327 : vector<64x128xf32>
      %add3A_329 = arith.constant 320 : i32
      %add3A_330 = arith.addi %mul3A_221, %add3A_329 : i32
      %convert_element_type3A_331 = arith.sitofp %add3A_330 : i32 to f32
      %add3A_332 = vector.broadcast %convert_element_type3A_331 : f32 to vector<64x128xf32>
      %add3A_333 = arith.addf %convert_element_type3A_237, %add3A_332 : vector<64x128xf32>
      %jit3A_334 = arith.constant 8.000000e+06 : f32
      %broadcast_in_dim3A_335 = vector.broadcast %jit3A_334 : f32 to vector<64x128xf32>
      %select_n3A_336 = arith.select %eq3A_328, %add3A_333, %broadcast_in_dim3A_335 : vector<64x128xi1>, vector<64x128xf32>
      %reduce_min3A_337 = arith.constant dense<0x7F800000> : vector<128xf32>
      %reduce_min3A_338 = vector.multi_reduction <minimumf>, %select_n3A_336, %reduce_min3A_337 [0] : vector<64x128xf32> to vector<128xf32>
      %broadcast_in_dim3A_339 = vector.shape_cast %reduce_min3A_338 : vector<128xf32> to vector<1x128xf32>
      %slice3A_340 = vector.extract_strided_slice %logistic3A_232 {offsets = [384, 0], sizes = [64, 128], strides = [1, 1]} : vector<512x128xf32> to vector<64x128xf32>
      %reduce_max3A_341 = arith.constant dense<0xFF800000> : vector<128xf32>
      %reduce_max3A_342 = vector.multi_reduction <maximumf>, %slice3A_340, %reduce_max3A_341 [0] : vector<64x128xf32> to vector<128xf32>
      %broadcast_in_dim3A_343 = vector.shape_cast %reduce_max3A_342 : vector<128xf32> to vector<1x128xf32>
      %eq3A_344 = vector.broadcast %broadcast_in_dim3A_343 : vector<1x128xf32> to vector<64x128xf32>
      %eq3A_345 = arith.cmpf oeq, %slice3A_340, %eq3A_344 : vector<64x128xf32>
      %add3A_346 = arith.constant 384 : i32
      %add3A_347 = arith.addi %mul3A_221, %add3A_346 : i32
      %convert_element_type3A_348 = arith.sitofp %add3A_347 : i32 to f32
      %add3A_349 = vector.broadcast %convert_element_type3A_348 : f32 to vector<64x128xf32>
      %add3A_350 = arith.addf %convert_element_type3A_237, %add3A_349 : vector<64x128xf32>
      %jit3A_351 = arith.constant 8.000000e+06 : f32
      %broadcast_in_dim3A_352 = vector.broadcast %jit3A_351 : f32 to vector<64x128xf32>
      %select_n3A_353 = arith.select %eq3A_345, %add3A_350, %broadcast_in_dim3A_352 : vector<64x128xi1>, vector<64x128xf32>
      %reduce_min3A_354 = arith.constant dense<0x7F800000> : vector<128xf32>
      %reduce_min3A_355 = vector.multi_reduction <minimumf>, %select_n3A_353, %reduce_min3A_354 [0] : vector<64x128xf32> to vector<128xf32>
      %broadcast_in_dim3A_356 = vector.shape_cast %reduce_min3A_355 : vector<128xf32> to vector<1x128xf32>
      %slice3A_357 = vector.extract_strided_slice %logistic3A_232 {offsets = [448, 0], sizes = [64, 128], strides = [1, 1]} : vector<512x128xf32> to vector<64x128xf32>
      %reduce_max3A_358 = arith.constant dense<0xFF800000> : vector<128xf32>
      %reduce_max3A_359 = vector.multi_reduction <maximumf>, %slice3A_357, %reduce_max3A_358 [0] : vector<64x128xf32> to vector<128xf32>
      %broadcast_in_dim3A_360 = vector.shape_cast %reduce_max3A_359 : vector<128xf32> to vector<1x128xf32>
      %eq3A_361 = vector.broadcast %broadcast_in_dim3A_360 : vector<1x128xf32> to vector<64x128xf32>
      %eq3A_362 = arith.cmpf oeq, %slice3A_357, %eq3A_361 : vector<64x128xf32>
      %add3A_363 = arith.constant 448 : i32
      %add3A_364 = arith.addi %mul3A_221, %add3A_363 : i32
      %convert_element_type3A_365 = arith.sitofp %add3A_364 : i32 to f32
      %add3A_366 = vector.broadcast %convert_element_type3A_365 : f32 to vector<64x128xf32>
      %add3A_367 = arith.addf %convert_element_type3A_237, %add3A_366 : vector<64x128xf32>
      %jit3A_368 = arith.constant 8.000000e+06 : f32
      %broadcast_in_dim3A_369 = vector.broadcast %jit3A_368 : f32 to vector<64x128xf32>
      %select_n3A_370 = arith.select %eq3A_362, %add3A_367, %broadcast_in_dim3A_369 : vector<64x128xi1>, vector<64x128xf32>
      %reduce_min3A_371 = arith.constant dense<0x7F800000> : vector<128xf32>
      %reduce_min3A_372 = vector.multi_reduction <minimumf>, %select_n3A_370, %reduce_min3A_371 [0] : vector<64x128xf32> to vector<128xf32>
      %broadcast_in_dim3A_373 = vector.shape_cast %reduce_min3A_372 : vector<128xf32> to vector<1x128xf32>
      %concatenate3A_374 = tpu.concatenate %broadcast_in_dim3A_241, %broadcast_in_dim3A_258, %broadcast_in_dim3A_275, %broadcast_in_dim3A_292, %broadcast_in_dim3A_309, %broadcast_in_dim3A_326, %broadcast_in_dim3A_343, %broadcast_in_dim3A_360 in 0 : vector<1x128xf32>, vector<1x128xf32>, vector<1x128xf32>, vector<1x128xf32>, vector<1x128xf32>, vector<1x128xf32>, vector<1x128xf32>, vector<1x128xf32> -> vector<8x128xf32>
      %concatenate3A_375 = tpu.concatenate %broadcast_in_dim3A_254, %broadcast_in_dim3A_271, %broadcast_in_dim3A_288, %broadcast_in_dim3A_305, %broadcast_in_dim3A_322, %broadcast_in_dim3A_339, %broadcast_in_dim3A_356, %broadcast_in_dim3A_373 in 0 : vector<1x128xf32>, vector<1x128xf32>, vector<1x128xf32>, vector<1x128xf32>, vector<1x128xf32>, vector<1x128xf32>, vector<1x128xf32>, vector<1x128xf32> -> vector<8x128xf32>
      %reshape3A_376 = vector.shape_cast %concatenate3A_374 : vector<8x128xf32> to vector<1x8x128xf32>
      %swap3A_377 = arith.index_cast %scan3A_218 : i32 to index
      %swap3A_378 = arith.constant 0 : index
      %swap3A_379 = arith.constant 0 : index
      %swap3A_380 = vector.load %arg6[%swap3A_377, %swap3A_378, %swap3A_379] : memref<25x8x128xf32, #tpu.memory_space<vmem>>, vector<1x8x128xf32>
      tpu.vector_store %arg6[%swap3A_377, %swap3A_378, %swap3A_379], %reshape3A_376 {strides = array<i32>} : memref<25x8x128xf32, #tpu.memory_space<vmem>>, vector<1x8x128xf32>,
      %convert_element_type3A_381 = arith.fptosi %concatenate3A_375 : vector<8x128xf32> to vector<8x128xi32>
      %reshape3A_382 = vector.shape_cast %convert_element_type3A_381 : vector<8x128xi32> to vector<1x8x128xi32>
      %swap3A_383 = arith.index_cast %scan3A_218 : i32 to index
      %swap3A_384 = arith.constant 0 : index
      %swap3A_385 = arith.constant 0 : index
      %swap3A_386 = vector.load %arg7[%swap3A_383, %swap3A_384, %swap3A_385] : memref<25x8x128xi32, #tpu.memory_space<vmem>>, vector<1x8x128xi32>
      tpu.vector_store %arg7[%swap3A_383, %swap3A_384, %swap3A_385], %reshape3A_382 {strides = array<i32>} : memref<25x8x128xi32, #tpu.memory_space<vmem>>, vector<1x8x128xi32>,
    }
    %scan3A_3 = arith.constant 24 : i32
    %get3A = arith.constant 0 : index
    %get3A_4 = arith.constant 12288 : index
    %get3A_5 = arith.constant 0 : index
    %get3A_6 = vector.load %arg1[%get3A, %get3A_4, %get3A_5] : memref<1x12500x128xf32, #tpu.memory_space<vmem>>, vector<1x212x128xf32>
    %get3A_7 = vector.shape_cast %get3A_6 : vector<1x212x128xf32> to vector<212x128xf32>
    %logistic3A = arith.negf %get3A_7 : vector<212x128xf32>
    %logistic3A_8 = math.exp %logistic3A : vector<212x128xf32>
    %logistic3A_9 = arith.constant 1.000000e+00 : f32
    %logistic3A_10 = vector.broadcast %logistic3A_9 : f32 to vector<212x128xf32>
    %logistic3A_11 = arith.addf %logistic3A_10, %logistic3A_8 : vector<212x128xf32>
    %logistic3A_12 = arith.divf %logistic3A_10, %logistic3A_11 : vector<212x128xf32>
    %broadcast_in_dim3A = arith.constant -1.000000e+00 : f32
    %broadcast_in_dim3A_13 = vector.broadcast %broadcast_in_dim3A : f32 to vector<300x128xf32>
    %concatenate3A = tpu.concatenate %logistic3A_12, %broadcast_in_dim3A_13 in 0 : vector<212x128xf32>, vector<300x128xf32> -> vector<512x128xf32>
    %slice3A = vector.extract_strided_slice %concatenate3A {offsets = [0, 0], sizes = [256, 128], strides = [1, 1]} : vector<512x128xf32> to vector<256x128xf32>
    %swap3A = arith.constant 12288 : index
    %swap3A_14 = arith.constant 0 : index
    %swap3A_15 = vector.load %arg5[%swap3A, %swap3A_14] : memref<12544x128xf32, #tpu.memory_space<vmem>>, vector<256x128xf32>
    tpu.vector_store %arg5[%swap3A, %swap3A_14], %slice3A {strides = array<i32>} : memref<12544x128xf32, #tpu.memory_space<vmem>>, vector<256x128xf32>,
    %iota3A = tpu.iota {dimensions = array<i32: 0>} : vector<64x128xi32>
    %convert_element_type3A = arith.sitofp %iota3A : vector<64x128xi32> to vector<64x128xf32>
    %slice3A_16 = vector.extract_strided_slice %concatenate3A {offsets = [0, 0], sizes = [64, 128], strides = [1, 1]} : vector<512x128xf32> to vector<64x128xf32>
    %reduce_max3A = arith.constant dense<0xFF800000> : vector<128xf32>
    %reduce_max3A_17 = vector.multi_reduction <maximumf>, %slice3A_16, %reduce_max3A [0] : vector<64x128xf32> to vector<128xf32>
    %broadcast_in_dim3A_18 = vector.shape_cast %reduce_max3A_17 : vector<128xf32> to vector<1x128xf32>
    %eq3A = vector.broadcast %broadcast_in_dim3A_18 : vector<1x128xf32> to vector<64x128xf32>
    %eq3A_19 = arith.cmpf oeq, %slice3A_16, %eq3A : vector<64x128xf32>
    %add3A = arith.constant 1.228800e+04 : f32
    %add3A_20 = vector.broadcast %add3A : f32 to vector<64x128xf32>
    %add3A_21 = arith.addf %convert_element_type3A, %add3A_20 : vector<64x128xf32>
    %jit3A = arith.constant 8.000000e+06 : f32
    %broadcast_in_dim3A_22 = vector.broadcast %jit3A : f32 to vector<64x128xf32>
    %select_n3A = arith.select %eq3A_19, %add3A_21, %broadcast_in_dim3A_22 : vector<64x128xi1>, vector<64x128xf32>
    %reduce_min3A = arith.constant dense<0x7F800000> : vector<128xf32>
    %reduce_min3A_23 = vector.multi_reduction <minimumf>, %select_n3A, %reduce_min3A [0] : vector<64x128xf32> to vector<128xf32>
    %broadcast_in_dim3A_24 = vector.shape_cast %reduce_min3A_23 : vector<128xf32> to vector<1x128xf32>
    %slice3A_25 = vector.extract_strided_slice %concatenate3A {offsets = [64, 0], sizes = [64, 128], strides = [1, 1]} : vector<512x128xf32> to vector<64x128xf32>
    %reduce_max3A_26 = arith.constant dense<0xFF800000> : vector<128xf32>
    %reduce_max3A_27 = vector.multi_reduction <maximumf>, %slice3A_25, %reduce_max3A_26 [0] : vector<64x128xf32> to vector<128xf32>
    %broadcast_in_dim3A_28 = vector.shape_cast %reduce_max3A_27 : vector<128xf32> to vector<1x128xf32>
    %eq3A_29 = vector.broadcast %broadcast_in_dim3A_28 : vector<1x128xf32> to vector<64x128xf32>
    %eq3A_30 = arith.cmpf oeq, %slice3A_25, %eq3A_29 : vector<64x128xf32>
    %add3A_31 = arith.constant 1.235200e+04 : f32
    %add3A_32 = vector.broadcast %add3A_31 : f32 to vector<64x128xf32>
    %add3A_33 = arith.addf %convert_element_type3A, %add3A_32 : vector<64x128xf32>
    %jit3A_34 = arith.constant 8.000000e+06 : f32
    %broadcast_in_dim3A_35 = vector.broadcast %jit3A_34 : f32 to vector<64x128xf32>
    %select_n3A_36 = arith.select %eq3A_30, %add3A_33, %broadcast_in_dim3A_35 : vector<64x128xi1>, vector<64x128xf32>
    %reduce_min3A_37 = arith.constant dense<0x7F800000> : vector<128xf32>
    %reduce_min3A_38 = vector.multi_reduction <minimumf>, %select_n3A_36, %reduce_min3A_37 [0] : vector<64x128xf32> to vector<128xf32>
    %broadcast_in_dim3A_39 = vector.shape_cast %reduce_min3A_38 : vector<128xf32> to vector<1x128xf32>
    %slice3A_40 = vector.extract_strided_slice %concatenate3A {offsets = [128, 0], sizes = [64, 128], strides = [1, 1]} : vector<512x128xf32> to vector<64x128xf32>
    %reduce_max3A_41 = arith.constant dense<0xFF800000> : vector<128xf32>
    %reduce_max3A_42 = vector.multi_reduction <maximumf>, %slice3A_40, %reduce_max3A_41 [0] : vector<64x128xf32> to vector<128xf32>
    %broadcast_in_dim3A_43 = vector.shape_cast %reduce_max3A_42 : vector<128xf32> to vector<1x128xf32>
    %eq3A_44 = vector.broadcast %broadcast_in_dim3A_43 : vector<1x128xf32> to vector<64x128xf32>
    %eq3A_45 = arith.cmpf oeq, %slice3A_40, %eq3A_44 : vector<64x128xf32>
    %add3A_46 = arith.constant 1.241600e+04 : f32
    %add3A_47 = vector.broadcast %add3A_46 : f32 to vector<64x128xf32>
    %add3A_48 = arith.addf %convert_element_type3A, %add3A_47 : vector<64x128xf32>
    %jit3A_49 = arith.constant 8.000000e+06 : f32
    %broadcast_in_dim3A_50 = vector.broadcast %jit3A_49 : f32 to vector<64x128xf32>
    %select_n3A_51 = arith.select %eq3A_45, %add3A_48, %broadcast_in_dim3A_50 : vector<64x128xi1>, vector<64x128xf32>
    %reduce_min3A_52 = arith.constant dense<0x7F800000> : vector<128xf32>
    %reduce_min3A_53 = vector.multi_reduction <minimumf>, %select_n3A_51, %reduce_min3A_52 [0] : vector<64x128xf32> to vector<128xf32>
    %broadcast_in_dim3A_54 = vector.shape_cast %reduce_min3A_53 : vector<128xf32> to vector<1x128xf32>
    %slice3A_55 = vector.extract_strided_slice %concatenate3A {offsets = [192, 0], sizes = [64, 128], strides = [1, 1]} : vector<512x128xf32> to vector<64x128xf32>
    %reduce_max3A_56 = arith.constant dense<0xFF800000> : vector<128xf32>
    %reduce_max3A_57 = vector.multi_reduction <maximumf>, %slice3A_55, %reduce_max3A_56 [0] : vector<64x128xf32> to vector<128xf32>
    %broadcast_in_dim3A_58 = vector.shape_cast %reduce_max3A_57 : vector<128xf32> to vector<1x128xf32>
    %eq3A_59 = vector.broadcast %broadcast_in_dim3A_58 : vector<1x128xf32> to vector<64x128xf32>
    %eq3A_60 = arith.cmpf oeq, %slice3A_55, %eq3A_59 : vector<64x128xf32>
    %add3A_61 = arith.constant 1.248000e+04 : f32
    %add3A_62 = vector.broadcast %add3A_61 : f32 to vector<64x128xf32>
    %add3A_63 = arith.addf %convert_element_type3A, %add3A_62 : vector<64x128xf32>
    %jit3A_64 = arith.constant 8.000000e+06 : f32
    %broadcast_in_dim3A_65 = vector.broadcast %jit3A_64 : f32 to vector<64x128xf32>
    %select_n3A_66 = arith.select %eq3A_60, %add3A_63, %broadcast_in_dim3A_65 : vector<64x128xi1>, vector<64x128xf32>
    %reduce_min3A_67 = arith.constant dense<0x7F800000> : vector<128xf32>
    %reduce_min3A_68 = vector.multi_reduction <minimumf>, %select_n3A_66, %reduce_min3A_67 [0] : vector<64x128xf32> to vector<128xf32>
    %broadcast_in_dim3A_69 = vector.shape_cast %reduce_min3A_68 : vector<128xf32> to vector<1x128xf32>
    %slice3A_70 = vector.extract_strided_slice %concatenate3A {offsets = [256, 0], sizes = [64, 128], strides = [1, 1]} : vector<512x128xf32> to vector<64x128xf32>
    %reduce_max3A_71 = arith.constant dense<0xFF800000> : vector<128xf32>
    %reduce_max3A_72 = vector.multi_reduction <maximumf>, %slice3A_70, %reduce_max3A_71 [0] : vector<64x128xf32> to vector<128xf32>
    %broadcast_in_dim3A_73 = vector.shape_cast %reduce_max3A_72 : vector<128xf32> to vector<1x128xf32>
    %eq3A_74 = vector.broadcast %broadcast_in_dim3A_73 : vector<1x128xf32> to vector<64x128xf32>
    %eq3A_75 = arith.cmpf oeq, %slice3A_70, %eq3A_74 : vector<64x128xf32>
    %add3A_76 = arith.constant 1.254400e+04 : f32
    %add3A_77 = vector.broadcast %add3A_76 : f32 to vector<64x128xf32>
    %add3A_78 = arith.addf %convert_element_type3A, %add3A_77 : vector<64x128xf32>
    %jit3A_79 = arith.constant 8.000000e+06 : f32
    %broadcast_in_dim3A_80 = vector.broadcast %jit3A_79 : f32 to vector<64x128xf32>
    %select_n3A_81 = arith.select %eq3A_75, %add3A_78, %broadcast_in_dim3A_80 : vector<64x128xi1>, vector<64x128xf32>
    %reduce_min3A_82 = arith.constant dense<0x7F800000> : vector<128xf32>
    %reduce_min3A_83 = vector.multi_reduction <minimumf>, %select_n3A_81, %reduce_min3A_82 [0] : vector<64x128xf32> to vector<128xf32>
    %broadcast_in_dim3A_84 = vector.shape_cast %reduce_min3A_83 : vector<128xf32> to vector<1x128xf32>
    %slice3A_85 = vector.extract_strided_slice %concatenate3A {offsets = [320, 0], sizes = [64, 128], strides = [1, 1]} : vector<512x128xf32> to vector<64x128xf32>
    %reduce_max3A_86 = arith.constant dense<0xFF800000> : vector<128xf32>
    %reduce_max3A_87 = vector.multi_reduction <maximumf>, %slice3A_85, %reduce_max3A_86 [0] : vector<64x128xf32> to vector<128xf32>
    %broadcast_in_dim3A_88 = vector.shape_cast %reduce_max3A_87 : vector<128xf32> to vector<1x128xf32>
    %eq3A_89 = vector.broadcast %broadcast_in_dim3A_88 : vector<1x128xf32> to vector<64x128xf32>
    %eq3A_90 = arith.cmpf oeq, %slice3A_85, %eq3A_89 : vector<64x128xf32>
    %add3A_91 = arith.constant 1.260800e+04 : f32
    %add3A_92 = vector.broadcast %add3A_91 : f32 to vector<64x128xf32>
    %add3A_93 = arith.addf %convert_element_type3A, %add3A_92 : vector<64x128xf32>
    %jit3A_94 = arith.constant 8.000000e+06 : f32
    %broadcast_in_dim3A_95 = vector.broadcast %jit3A_94 : f32 to vector<64x128xf32>
    %select_n3A_96 = arith.select %eq3A_90, %add3A_93, %broadcast_in_dim3A_95 : vector<64x128xi1>, vector<64x128xf32>
    %reduce_min3A_97 = arith.constant dense<0x7F800000> : vector<128xf32>
    %reduce_min3A_98 = vector.multi_reduction <minimumf>, %select_n3A_96, %reduce_min3A_97 [0] : vector<64x128xf32> to vector<128xf32>
    %broadcast_in_dim3A_99 = vector.shape_cast %reduce_min3A_98 : vector<128xf32> to vector<1x128xf32>
    %slice3A_100 = vector.extract_strided_slice %concatenate3A {offsets = [384, 0], sizes = [64, 128], strides = [1, 1]} : vector<512x128xf32> to vector<64x128xf32>
    %reduce_max3A_101 = arith.constant dense<0xFF800000> : vector<128xf32>
    %reduce_max3A_102 = vector.multi_reduction <maximumf>, %slice3A_100, %reduce_max3A_101 [0] : vector<64x128xf32> to vector<128xf32>
    %broadcast_in_dim3A_103 = vector.shape_cast %reduce_max3A_102 : vector<128xf32> to vector<1x128xf32>
    %eq3A_104 = vector.broadcast %broadcast_in_dim3A_103 : vector<1x128xf32> to vector<64x128xf32>
    %eq3A_105 = arith.cmpf oeq, %slice3A_100, %eq3A_104 : vector<64x128xf32>
    %add3A_106 = arith.constant 1.267200e+04 : f32
    %add3A_107 = vector.broadcast %add3A_106 : f32 to vector<64x128xf32>
    %add3A_108 = arith.addf %convert_element_type3A, %add3A_107 : vector<64x128xf32>
    %jit3A_109 = arith.constant 8.000000e+06 : f32
    %broadcast_in_dim3A_110 = vector.broadcast %jit3A_109 : f32 to vector<64x128xf32>
    %select_n3A_111 = arith.select %eq3A_105, %add3A_108, %broadcast_in_dim3A_110 : vector<64x128xi1>, vector<64x128xf32>
    %reduce_min3A_112 = arith.constant dense<0x7F800000> : vector<128xf32>
    %reduce_min3A_113 = vector.multi_reduction <minimumf>, %select_n3A_111, %reduce_min3A_112 [0] : vector<64x128xf32> to vector<128xf32>
    %broadcast_in_dim3A_114 = vector.shape_cast %reduce_min3A_113 : vector<128xf32> to vector<1x128xf32>
    %slice3A_115 = vector.extract_strided_slice %concatenate3A {offsets = [448, 0], sizes = [64, 128], strides = [1, 1]} : vector<512x128xf32> to vector<64x128xf32>
    %reduce_max3A_116 = arith.constant dense<0xFF800000> : vector<128xf32>
    %reduce_max3A_117 = vector.multi_reduction <maximumf>, %slice3A_115, %reduce_max3A_116 [0] : vector<64x128xf32> to vector<128xf32>
    %broadcast_in_dim3A_118 = vector.shape_cast %reduce_max3A_117 : vector<128xf32> to vector<1x128xf32>
    %eq3A_119 = vector.broadcast %broadcast_in_dim3A_118 : vector<1x128xf32> to vector<64x128xf32>
    %eq3A_120 = arith.cmpf oeq, %slice3A_115, %eq3A_119 : vector<64x128xf32>
    %add3A_121 = arith.constant 1.273600e+04 : f32
    %add3A_122 = vector.broadcast %add3A_121 : f32 to vector<64x128xf32>
    %add3A_123 = arith.addf %convert_element_type3A, %add3A_122 : vector<64x128xf32>
    %jit3A_124 = arith.constant 8.000000e+06 : f32
    %broadcast_in_dim3A_125 = vector.broadcast %jit3A_124 : f32 to vector<64x128xf32>
    %select_n3A_126 = arith.select %eq3A_120, %add3A_123, %broadcast_in_dim3A_125 : vector<64x128xi1>, vector<64x128xf32>
    %reduce_min3A_127 = arith.constant dense<0x7F800000> : vector<128xf32>
    %reduce_min3A_128 = vector.multi_reduction <minimumf>, %select_n3A_126, %reduce_min3A_127 [0] : vector<64x128xf32> to vector<128xf32>
    %broadcast_in_dim3A_129 = vector.shape_cast %reduce_min3A_128 : vector<128xf32> to vector<1x128xf32>
    %concatenate3A_130 = tpu.concatenate %broadcast_in_dim3A_18, %broadcast_in_dim3A_28, %broadcast_in_dim3A_43, %broadcast_in_dim3A_58, %broadcast_in_dim3A_73, %broadcast_in_dim3A_88, %broadcast_in_dim3A_103, %broadcast_in_dim3A_118 in 0 : vector<1x128xf32>, vector<1x128xf32>, vector<1x128xf32>, vector<1x128xf32>, vector<1x128xf32>, vector<1x128xf32>, vector<1x128xf32>, vector<1x128xf32> -> vector<8x128xf32>
    %concatenate3A_131 = tpu.concatenate %broadcast_in_dim3A_24, %broadcast_in_dim3A_39, %broadcast_in_dim3A_54, %broadcast_in_dim3A_69, %broadcast_in_dim3A_84, %broadcast_in_dim3A_99, %broadcast_in_dim3A_114, %broadcast_in_dim3A_129 in 0 : vector<1x128xf32>, vector<1x128xf32>, vector<1x128xf32>, vector<1x128xf32>, vector<1x128xf32>, vector<1x128xf32>, vector<1x128xf32>, vector<1x128xf32> -> vector<8x128xf32>
    %reshape3A = vector.shape_cast %concatenate3A_130 : vector<8x128xf32> to vector<1x8x128xf32>
    %swap3A_132 = arith.constant 24 : index
    %swap3A_133 = arith.constant 0 : index
    %swap3A_134 = arith.constant 0 : index
    %swap3A_135 = vector.load %arg6[%swap3A_132, %swap3A_133, %swap3A_134] : memref<25x8x128xf32, #tpu.memory_space<vmem>>, vector<1x8x128xf32>
    tpu.vector_store %arg6[%swap3A_132, %swap3A_133, %swap3A_134], %reshape3A {strides = array<i32>} : memref<25x8x128xf32, #tpu.memory_space<vmem>>, vector<1x8x128xf32>,
    %convert_element_type3A_136 = arith.fptosi %concatenate3A_131 : vector<8x128xf32> to vector<8x128xi32>
    %reshape3A_137 = vector.shape_cast %convert_element_type3A_136 : vector<8x128xi32> to vector<1x8x128xi32>
    %swap3A_138 = arith.constant 24 : index
    %swap3A_139 = arith.constant 0 : index
    %swap3A_140 = arith.constant 0 : index
    %swap3A_141 = vector.load %arg7[%swap3A_138, %swap3A_139, %swap3A_140] : memref<25x8x128xi32, #tpu.memory_space<vmem>>, vector<1x8x128xi32>
    tpu.vector_store %arg7[%swap3A_138, %swap3A_139, %swap3A_140], %reshape3A_137 {strides = array<i32>} : memref<25x8x128xi32, #tpu.memory_space<vmem>>, vector<1x8x128xi32>,
    %iota3A_142 = tpu.iota {dimensions = array<i32: 1>} : vector<1x300xi32>
    %iota3A_143 = tpu.iota {dimensions = array<i32: 2>} : vector<25x8x128xi32>
    %iota3A_144 = tpu.iota {dimensions = array<i32: 0>} : vector<64x128xi32>
    %iota3A_145 = tpu.iota {dimensions = array<i32: 1>} : vector<64x128xi32>
    %iota3A_146 = tpu.iota {dimensions = array<i32: 1>} : vector<1x8x128xi32>
    %broadcast_in_dim3A_147 = arith.constant 0.000000e+00 : f32
    %broadcast_in_dim3A_148 = vector.broadcast %broadcast_in_dim3A_147 : f32 to vector<1x300xf32>
    %broadcast_in_dim3A_149 = arith.constant 0 : i32
    %broadcast_in_dim3A_150 = vector.broadcast %broadcast_in_dim3A_149 : i32 to vector<1x300xi32>
    %scan3A_151 = arith.constant 0 : i32
    %scan3A_152 = arith.constant 300 : i32
    %scan3A_153 = arith.addi %scan3A_151, %scan3A_152 : i32
    %scan3A_154 = arith.constant 1 : i32
    %scan3A_155:2 = scf.for %scan3A_218 = %scan3A_151 to %scan3A_153 step %scan3A_154 iter_args(%scan3A_219 = %broadcast_in_dim3A_148, %scan3A_220 = %broadcast_in_dim3A_150) -> (vector<1x300xf32>, vector<1x300xi32>)  : i32 {
      %get3A_221 = arith.constant 0 : index
      %get3A_222 = arith.constant 0 : index
      %get3A_223 = arith.constant 0 : index
      %get3A_224 = vector.load %arg6[%get3A_221, %get3A_222, %get3A_223] : memref<25x8x128xf32, #tpu.memory_space<vmem>>, vector<25x8x128xf32>
      %reduce_max3A_225 = vector.shape_cast %get3A_224 : vector<25x8x128xf32> to vector<1x25x8x128xf32>
      %reduce_max3A_226 = arith.constant dense<0xFF800000> : vector<1xf32>
      %reduce_max3A_227 = vector.multi_reduction <maximumf>, %reduce_max3A_225, %reduce_max3A_226 [1, 2, 3] : vector<1x25x8x128xf32> to vector<1xf32>
      %reduce_max3A_228 = vector.shape_cast %reduce_max3A_227 : vector<1xf32> to vector<1x1x1x1xf32>
      %reduce_max3A_229 = vector.extract %reduce_max3A_228[0, 0, 0, 0] : f32 from vector<1x1x1x1xf32>
      %get3A_230 = arith.constant 0 : index
      %get3A_231 = arith.constant 0 : index
      %get3A_232 = arith.constant 0 : index
      %get3A_233 = vector.load %arg7[%get3A_230, %get3A_231, %get3A_232] : memref<25x8x128xi32, #tpu.memory_space<vmem>>, vector<25x8x128xi32>
      %mul3A = arith.constant 128 : i32
      %mul3A_234 = vector.broadcast %mul3A : i32 to vector<25x8x128xi32>
      %mul3A_235 = arith.muli %get3A_233, %mul3A_234 : vector<25x8x128xi32>
      %add3A_236 = arith.addi %mul3A_235, %iota3A_143 : vector<25x8x128xi32>
      %convert_element_type3A_237 = arith.sitofp %add3A_236 : vector<25x8x128xi32> to vector<25x8x128xf32>
      %eq3A_238 = vector.broadcast %reduce_max3A_229 : f32 to vector<25x8x128xf32>
      %eq3A_239 = arith.cmpf oeq, %get3A_224, %eq3A_238 : vector<25x8x128xf32>
      %jit3A_240 = arith.constant 8.000000e+06 : f32
      %broadcast_in_dim3A_241 = vector.broadcast %jit3A_240 : f32 to vector<25x8x128xf32>
      %select_n3A_242 = arith.select %eq3A_239, %convert_element_type3A_237, %broadcast_in_dim3A_241 : vector<25x8x128xi1>, vector<25x8x128xf32>
      %reduce_min3A_243 = vector.shape_cast %select_n3A_242 : vector<25x8x128xf32> to vector<1x25x8x128xf32>
      %reduce_min3A_244 = arith.constant dense<0x7F800000> : vector<1xf32>
      %reduce_min3A_245 = vector.multi_reduction <minimumf>, %reduce_min3A_243, %reduce_min3A_244 [1, 2, 3] : vector<1x25x8x128xf32> to vector<1xf32>
      %reduce_min3A_246 = vector.shape_cast %reduce_min3A_245 : vector<1xf32> to vector<1x1x1x1xf32>
      %reduce_min3A_247 = vector.extract %reduce_min3A_246[0, 0, 0, 0] : f32 from vector<1x1x1x1xf32>
      %convert_element_type3A_248 = arith.fptosi %reduce_min3A_247 : f32 to i32
      %jit3A_249 = arith.constant 128 : i32
      %div3A_250 = arith.divsi %convert_element_type3A_248, %jit3A_249 : i32
      %sign3A_251 = arith.constant 0 : i32
      %sign3A_252 = arith.cmpi sgt, %convert_element_type3A_248, %sign3A_251 : i32
      %sign3A_253 = arith.extui %sign3A_252 : i1 to i32
      %sign3A_254 = arith.constant 0 : i32
      %sign3A_255 = arith.cmpi slt, %convert_element_type3A_248, %sign3A_254 : i32
      %sign3A_256 = arith.extui %sign3A_255 : i1 to i32
      %sign3A_257 = arith.subi %sign3A_253, %sign3A_256 : i32
      %sign3A_258 = arith.constant 0 : i32
      %sign3A_259 = arith.cmpi sgt, %jit3A_249, %sign3A_258 : i32
      %sign3A_260 = arith.extui %sign3A_259 : i1 to i32
      %sign3A_261 = arith.constant 0 : i32
      %sign3A_262 = arith.cmpi slt, %jit3A_249, %sign3A_261 : i32
      %sign3A_263 = arith.extui %sign3A_262 : i1 to i32
      %sign3A_264 = arith.subi %sign3A_260, %sign3A_263 : i32
      %ne3A_265 = arith.cmpi ne, %sign3A_257, %sign3A_264 : i32
      %rem3A_266 = arith.remsi %convert_element_type3A_248, %jit3A_249 : i32
      %ne3A_267 = arith.constant 0 : i32
      %ne3A_268 = arith.cmpi ne, %rem3A_266, %ne3A_267 : i32
      %and3A_269 = arith.andi %ne3A_265, %ne3A_268 : i1
      %sub3A_270 = arith.constant 1 : i32
      %sub3A_271 = arith.subi %div3A_250, %sub3A_270 : i32
      %select_n3A_272 = arith.select %and3A_269, %sub3A_271, %div3A_250 : i32
      %jit3A_273 = arith.constant 128 : i32
      %eq3A_274 = arith.constant 0 : i32
      %eq3A_275 = arith.cmpi eq, %jit3A_273, %eq3A_274 : i32
      %jit3A_276 = arith.constant 1 : i32
      %select_n3A_277 = arith.select %eq3A_275, %jit3A_276, %jit3A_273 : i32
      %rem3A_278 = arith.remsi %convert_element_type3A_248, %select_n3A_277 : i32
      %ne3A_279 = arith.constant 0 : i32
      %ne3A_280 = arith.cmpi ne, %rem3A_278, %ne3A_279 : i32
      %lt3A_281 = arith.constant 0 : i32
      %lt3A_282 = arith.cmpi slt, %rem3A_278, %lt3A_281 : i32
      %lt3A_283 = arith.constant 0 : i32
      %lt3A_284 = arith.cmpi slt, %select_n3A_277, %lt3A_283 : i32
      %ne3A_285 = arith.xori %lt3A_282, %lt3A_284 : i1
      %and3A_286 = arith.andi %ne3A_285, %ne3A_280 : i1
      %add3A_287 = arith.addi %rem3A_278, %select_n3A_277 : i32
      %select_n3A_288 = arith.select %and3A_286, %add3A_287, %rem3A_278 : i32
      %jit3A_289 = arith.constant 8192 : i32
      %div3A_290 = arith.divsi %convert_element_type3A_248, %jit3A_289 : i32
      %sign3A_291 = arith.constant 0 : i32
      %sign3A_292 = arith.cmpi sgt, %convert_element_type3A_248, %sign3A_291 : i32
      %sign3A_293 = arith.extui %sign3A_292 : i1 to i32
      %sign3A_294 = arith.constant 0 : i32
      %sign3A_295 = arith.cmpi slt, %convert_element_type3A_248, %sign3A_294 : i32
      %sign3A_296 = arith.extui %sign3A_295 : i1 to i32
      %sign3A_297 = arith.subi %sign3A_293, %sign3A_296 : i32
      %sign3A_298 = arith.constant 0 : i32
      %sign3A_299 = arith.cmpi sgt, %jit3A_289, %sign3A_298 : i32
      %sign3A_300 = arith.extui %sign3A_299 : i1 to i32
      %sign3A_301 = arith.constant 0 : i32
      %sign3A_302 = arith.cmpi slt, %jit3A_289, %sign3A_301 : i32
      %sign3A_303 = arith.extui %sign3A_302 : i1 to i32
      %sign3A_304 = arith.subi %sign3A_300, %sign3A_303 : i32
      %ne3A_305 = arith.cmpi ne, %sign3A_297, %sign3A_304 : i32
      %rem3A_306 = arith.remsi %convert_element_type3A_248, %jit3A_289 : i32
      %ne3A_307 = arith.constant 0 : i32
      %ne3A_308 = arith.cmpi ne, %rem3A_306, %ne3A_307 : i32
      %and3A_309 = arith.andi %ne3A_305, %ne3A_308 : i1
      %sub3A_310 = arith.constant 1 : i32
      %sub3A_311 = arith.subi %div3A_290, %sub3A_310 : i32
      %select_n3A_312 = arith.select %and3A_309, %sub3A_311, %div3A_290 : i32
      %jit3A_313 = arith.constant 8 : i32
      %div3A_314 = arith.divsi %select_n3A_312, %jit3A_313 : i32
      %sign3A_315 = arith.constant 0 : i32
      %sign3A_316 = arith.cmpi sgt, %select_n3A_312, %sign3A_315 : i32
      %sign3A_317 = arith.extui %sign3A_316 : i1 to i32
      %sign3A_318 = arith.constant 0 : i32
      %sign3A_319 = arith.cmpi slt, %select_n3A_312, %sign3A_318 : i32
      %sign3A_320 = arith.extui %sign3A_319 : i1 to i32
      %sign3A_321 = arith.subi %sign3A_317, %sign3A_320 : i32
      %sign3A_322 = arith.constant 0 : i32
      %sign3A_323 = arith.cmpi sgt, %jit3A_313, %sign3A_322 : i32
      %sign3A_324 = arith.extui %sign3A_323 : i1 to i32
      %sign3A_325 = arith.constant 0 : i32
      %sign3A_326 = arith.cmpi slt, %jit3A_313, %sign3A_325 : i32
      %sign3A_327 = arith.extui %sign3A_326 : i1 to i32
      %sign3A_328 = arith.subi %sign3A_324, %sign3A_327 : i32
      %ne3A_329 = arith.cmpi ne, %sign3A_321, %sign3A_328 : i32
      %rem3A_330 = arith.remsi %select_n3A_312, %jit3A_313 : i32
      %ne3A_331 = arith.constant 0 : i32
      %ne3A_332 = arith.cmpi ne, %rem3A_330, %ne3A_331 : i32
      %and3A_333 = arith.andi %ne3A_329, %ne3A_332 : i1
      %sub3A_334 = arith.constant 1 : i32
      %sub3A_335 = arith.subi %div3A_314, %sub3A_334 : i32
      %select_n3A_336 = arith.select %and3A_333, %sub3A_335, %div3A_314 : i32
      %jit3A_337 = arith.constant 8 : i32
      %eq3A_338 = arith.constant 0 : i32
      %eq3A_339 = arith.cmpi eq, %jit3A_337, %eq3A_338 : i32
      %jit3A_340 = arith.constant 1 : i32
      %select_n3A_341 = arith.select %eq3A_339, %jit3A_340, %jit3A_337 : i32
      %rem3A_342 = arith.remsi %select_n3A_312, %select_n3A_341 : i32
      %ne3A_343 = arith.constant 0 : i32
      %ne3A_344 = arith.cmpi ne, %rem3A_342, %ne3A_343 : i32
      %lt3A_345 = arith.constant 0 : i32
      %lt3A_346 = arith.cmpi slt, %rem3A_342, %lt3A_345 : i32
      %lt3A_347 = arith.constant 0 : i32
      %lt3A_348 = arith.cmpi slt, %select_n3A_341, %lt3A_347 : i32
      %ne3A_349 = arith.xori %lt3A_346, %lt3A_348 : i1
      %and3A_350 = arith.andi %ne3A_349, %ne3A_344 : i1
      %add3A_351 = arith.addi %rem3A_342, %select_n3A_341 : i32
      %select_n3A_352 = arith.select %and3A_350, %add3A_351, %rem3A_342 : i32
      %eq3A_353 = vector.broadcast %scan3A_218 : i32 to vector<1x300xi32>
      %eq3A_354 = arith.cmpi eq, %iota3A_142, %eq3A_353 : vector<1x300xi32>
      %broadcast_in_dim3A_355 = vector.broadcast %reduce_max3A_229 : f32 to vector<1x300xf32>
      %select_n3A_356 = arith.select %eq3A_354, %broadcast_in_dim3A_355, %scan3A_219 : vector<1x300xi1>, vector<1x300xf32>
      %eq3A_357 = vector.broadcast %scan3A_218 : i32 to vector<1x300xi32>
      %eq3A_358 = arith.cmpi eq, %iota3A_142, %eq3A_357 : vector<1x300xi32>
      %broadcast_in_dim3A_359 = vector.broadcast %convert_element_type3A_248 : i32 to vector<1x300xi32>
      %select_n3A_360 = arith.select %eq3A_358, %broadcast_in_dim3A_359, %scan3A_220 : vector<1x300xi1>, vector<1x300xi32>
      %mul3A_361 = arith.constant 64 : i32
      %mul3A_362 = arith.muli %select_n3A_312, %mul3A_361 : i32
      %get3A_363 = arith.index_cast %mul3A_362 : i32 to index
      %get3A_364 = arith.constant 0 : index
      %get3A_365 = vector.load %arg5[%get3A_363, %get3A_364] : memref<12544x128xf32, #tpu.memory_space<vmem>>, vector<64x128xf32>
      %mul3A_366 = arith.constant 64 : i32
      %mul3A_367 = arith.muli %select_n3A_312, %mul3A_366 : i32
      %add3A_368 = vector.broadcast %mul3A_367 : i32 to vector<64x128xi32>
      %add3A_369 = arith.addi %iota3A_144, %add3A_368 : vector<64x128xi32>
      %eq3A_370 = vector.broadcast %select_n3A_272 : i32 to vector<64x128xi32>
      %eq3A_371 = arith.cmpi eq, %add3A_369, %eq3A_370 : vector<64x128xi32>
      %eq3A_372 = vector.broadcast %select_n3A_288 : i32 to vector<64x128xi32>
      %eq3A_373 = arith.cmpi eq, %iota3A_145, %eq3A_372 : vector<64x128xi32>
      %and3A_374 = arith.andi %eq3A_371, %eq3A_373 : vector<64x128xi1>
      %jit3A_375 = arith.constant -1.000000e+00 : f32
      %broadcast_in_dim3A_376 = vector.broadcast %jit3A_375 : f32 to vector<64x128xf32>
      %select_n3A_377 = arith.select %and3A_374, %broadcast_in_dim3A_376, %get3A_365 : vector<64x128xi1>, vector<64x128xf32>
      %mul3A_378 = arith.constant 64 : i32
      %mul3A_379 = arith.muli %select_n3A_312, %mul3A_378 : i32
      %swap3A_380 = arith.index_cast %mul3A_379 : i32 to index
      %swap3A_381 = arith.constant 0 : index
      %swap3A_382 = vector.load %arg5[%swap3A_380, %swap3A_381] : memref<12544x128xf32, #tpu.memory_space<vmem>>, vector<64x128xf32>
      tpu.vector_store %arg5[%swap3A_380, %swap3A_381], %select_n3A_377 {strides = array<i32>} : memref<12544x128xf32, #tpu.memory_space<vmem>>, vector<64x128xf32>,
      %reduce_max3A_383 = arith.constant dense<0xFF800000> : vector<128xf32>
      %reduce_max3A_384 = vector.multi_reduction <maximumf>, %select_n3A_377, %reduce_max3A_383 [0] : vector<64x128xf32> to vector<128xf32>
      %broadcast_in_dim3A_385 = vector.shape_cast %reduce_max3A_384 : vector<128xf32> to vector<1x128xf32>
      %eq3A_386 = vector.broadcast %broadcast_in_dim3A_385 : vector<1x128xf32> to vector<64x128xf32>
      %eq3A_387 = arith.cmpf oeq, %select_n3A_377, %eq3A_386 : vector<64x128xf32>
      %convert_element_type3A_388 = arith.sitofp %add3A_369 : vector<64x128xi32> to vector<64x128xf32>
      %jit3A_389 = arith.constant 8.000000e+06 : f32
      %broadcast_in_dim3A_390 = vector.broadcast %jit3A_389 : f32 to vector<64x128xf32>
      %select_n3A_391 = arith.select %eq3A_387, %convert_element_type3A_388, %broadcast_in_dim3A_390 : vector<64x128xi1>, vector<64x128xf32>
      %reduce_min3A_392 = arith.constant dense<0x7F800000> : vector<128xf32>
      %reduce_min3A_393 = vector.multi_reduction <minimumf>, %select_n3A_391, %reduce_min3A_392 [0] : vector<64x128xf32> to vector<128xf32>
      %broadcast_in_dim3A_394 = vector.shape_cast %reduce_min3A_393 : vector<128xf32> to vector<1x128xf32>
      %get3A_395 = arith.index_cast %select_n3A_336 : i32 to index
      %get3A_396 = arith.constant 0 : index
      %get3A_397 = arith.constant 0 : index
      %get3A_398 = vector.load %arg6[%get3A_395, %get3A_396, %get3A_397] : memref<25x8x128xf32, #tpu.memory_space<vmem>>, vector<1x8x128xf32>
      %get3A_399 = arith.index_cast %select_n3A_336 : i32 to index
      %get3A_400 = arith.constant 0 : index
      %get3A_401 = arith.constant 0 : index
      %get3A_402 = vector.load %arg7[%get3A_399, %get3A_400, %get3A_401] : memref<25x8x128xi32, #tpu.memory_space<vmem>>, vector<1x8x128xi32>
      %eq3A_403 = vector.broadcast %select_n3A_352 : i32 to vector<1x8x128xi32>
      %eq3A_404 = arith.cmpi eq, %iota3A_146, %eq3A_403 : vector<1x8x128xi32>
      %reshape3A_405 = vector.shape_cast %broadcast_in_dim3A_385 : vector<1x128xf32> to vector<1x1x128xf32>
      %broadcast_in_dim3A_406 = vector.shape_cast %reshape3A_405 : vector<1x1x128xf32> to vector<1x1x128xf32>
      %broadcast_in_dim3A_407 = vector.broadcast %broadcast_in_dim3A_406 : vector<1x1x128xf32> to vector<1x8x128xf32>
      %select_n3A_408 = arith.select %eq3A_404, %broadcast_in_dim3A_407, %get3A_398 : vector<1x8x128xi1>, vector<1x8x128xf32>
      %swap3A_409 = arith.index_cast %select_n3A_336 : i32 to index
      %swap3A_410 = arith.constant 0 : index
      %swap3A_411 = arith.constant 0 : index
      %swap3A_412 = vector.load %arg6[%swap3A_409, %swap3A_410, %swap3A_411] : memref<25x8x128xf32, #tpu.memory_space<vmem>>, vector<1x8x128xf32>
      tpu.vector_store %arg6[%swap3A_409, %swap3A_410, %swap3A_411], %select_n3A_408 {strides = array<i32>} : memref<25x8x128xf32, #tpu.memory_space<vmem>>, vector<1x8x128xf32>,
      %eq3A_413 = vector.broadcast %select_n3A_352 : i32 to vector<1x8x128xi32>
      %eq3A_414 = arith.cmpi eq, %iota3A_146, %eq3A_413 : vector<1x8x128xi32>
      %convert_element_type3A_415 = arith.fptosi %broadcast_in_dim3A_394 : vector<1x128xf32> to vector<1x128xi32>
      %reshape3A_416 = vector.shape_cast %convert_element_type3A_415 : vector<1x128xi32> to vector<1x1x128xi32>
      %broadcast_in_dim3A_417 = vector.shape_cast %reshape3A_416 : vector<1x1x128xi32> to vector<1x1x128xi32>
      %broadcast_in_dim3A_418 = vector.broadcast %broadcast_in_dim3A_417 : vector<1x1x128xi32> to vector<1x8x128xi32>
      %select_n3A_419 = arith.select %eq3A_414, %broadcast_in_dim3A_418, %get3A_402 : vector<1x8x128xi1>, vector<1x8x128xi32>
      %swap3A_420 = arith.index_cast %select_n3A_336 : i32 to index
      %swap3A_421 = arith.constant 0 : index
      %swap3A_422 = arith.constant 0 : index
      %swap3A_423 = vector.load %arg7[%swap3A_420, %swap3A_421, %swap3A_422] : memref<25x8x128xi32, #tpu.memory_space<vmem>>, vector<1x8x128xi32>
      tpu.vector_store %arg7[%swap3A_420, %swap3A_421, %swap3A_422], %select_n3A_419 {strides = array<i32>} : memref<25x8x128xi32, #tpu.memory_space<vmem>>, vector<1x8x128xi32>,
      scf.yield %select_n3A_356, %select_n3A_360 : vector<1x300xf32>, vector<1x300xi32>
    }
    %scan3A_156 = arith.constant 300 : i32
    %jit3A_157 = arith.constant 80 : i32
    %eq3A_158 = arith.constant 0 : i32
    %eq3A_159 = arith.cmpi eq, %jit3A_157, %eq3A_158 : i32
    %jit3A_160 = arith.constant 1 : i32
    %select_n3A_161 = arith.select %eq3A_159, %jit3A_160, %jit3A_157 : i32
    %rem3A = vector.broadcast %select_n3A_161 : i32 to vector<1x300xi32>
    %rem3A_162 = arith.remsi %scan3A_155#1, %rem3A : vector<1x300xi32>
    %ne3A = arith.constant 0 : i32
    %ne3A_163 = vector.broadcast %ne3A : i32 to vector<1x300xi32>
    %ne3A_164 = arith.cmpi ne, %rem3A_162, %ne3A_163 : vector<1x300xi32>
    %lt3A = arith.constant 0 : i32
    %lt3A_165 = vector.broadcast %lt3A : i32 to vector<1x300xi32>
    %lt3A_166 = arith.cmpi slt, %rem3A_162, %lt3A_165 : vector<1x300xi32>
    %lt3A_167 = arith.constant 0 : i32
    %lt3A_168 = arith.cmpi slt, %select_n3A_161, %lt3A_167 : i32
    %ne3A_169 = vector.broadcast %lt3A_168 : i1 to vector<1x300xi1>
    %ne3A_170 = vector.broadcast %ne3A_169 : vector<1x300xi1> to vector<1x300xi1>
    %ne3A_171 = arith.xori %lt3A_166, %ne3A_170 : vector<1x300xi1>
    %and3A = arith.andi %ne3A_171, %ne3A_164 : vector<1x300xi1>
    %add3A_172 = vector.broadcast %select_n3A_161 : i32 to vector<1x300xi32>
    %add3A_173 = arith.addi %rem3A_162, %add3A_172 : vector<1x300xi32>
    %select_n3A_174 = arith.select %and3A, %add3A_173, %rem3A_162 : vector<1x300xi1>, vector<1x300xi32>
    %reshape3A_175 = vector.shape_cast %select_n3A_174 : vector<1x300xi32> to vector<1x1x300xi32>
    %swap3A_176 = arith.constant 0 : index
    %swap3A_177 = arith.constant 0 : index
    %swap3A_178 = arith.constant 0 : index
    %swap3A_179 = vector.load %arg2[%swap3A_176, %swap3A_177, %swap3A_178] : memref<1x1x300xi32, #tpu.memory_space<vmem>>, vector<1x1x300xi32>
    tpu.vector_store %arg2[%swap3A_176, %swap3A_177, %swap3A_178], %reshape3A_175 {strides = array<i32>} : memref<1x1x300xi32, #tpu.memory_space<vmem>>, vector<1x1x300xi32>,
    %jit3A_180 = arith.constant 80 : i32
    %div3A = vector.broadcast %jit3A_180 : i32 to vector<1x300xi32>
    %div3A_181 = arith.divsi %scan3A_155#1, %div3A : vector<1x300xi32>
    %sign3A = arith.constant 0 : i32
    %sign3A_182 = vector.broadcast %sign3A : i32 to vector<1x300xi32>
    %sign3A_183 = arith.cmpi sgt, %scan3A_155#1, %sign3A_182 : vector<1x300xi32>
    %sign3A_184 = arith.extui %sign3A_183 : vector<1x300xi1> to vector<1x300xi32>
    %sign3A_185 = arith.constant 0 : i32
    %sign3A_186 = vector.broadcast %sign3A_185 : i32 to vector<1x300xi32>
    %sign3A_187 = arith.cmpi slt, %scan3A_155#1, %sign3A_186 : vector<1x300xi32>
    %sign3A_188 = arith.extui %sign3A_187 : vector<1x300xi1> to vector<1x300xi32>
    %sign3A_189 = arith.subi %sign3A_184, %sign3A_188 : vector<1x300xi32>
    %sign3A_190 = arith.constant 0 : i32
    %sign3A_191 = arith.cmpi sgt, %jit3A_180, %sign3A_190 : i32
    %sign3A_192 = arith.extui %sign3A_191 : i1 to i32
    %sign3A_193 = arith.constant 0 : i32
    %sign3A_194 = arith.cmpi slt, %jit3A_180, %sign3A_193 : i32
    %sign3A_195 = arith.extui %sign3A_194 : i1 to i32
    %sign3A_196 = arith.subi %sign3A_192, %sign3A_195 : i32
    %ne3A_197 = vector.broadcast %sign3A_196 : i32 to vector<1x300xi32>
    %ne3A_198 = arith.cmpi ne, %sign3A_189, %ne3A_197 : vector<1x300xi32>
    %rem3A_199 = vector.broadcast %jit3A_180 : i32 to vector<1x300xi32>
    %rem3A_200 = arith.remsi %scan3A_155#1, %rem3A_199 : vector<1x300xi32>
    %ne3A_201 = arith.constant 0 : i32
    %ne3A_202 = vector.broadcast %ne3A_201 : i32 to vector<1x300xi32>
    %ne3A_203 = arith.cmpi ne, %rem3A_200, %ne3A_202 : vector<1x300xi32>
    %and3A_204 = arith.andi %ne3A_198, %ne3A_203 : vector<1x300xi1>
    %sub3A = arith.constant 1 : i32
    %sub3A_205 = vector.broadcast %sub3A : i32 to vector<1x300xi32>
    %sub3A_206 = arith.subi %div3A_181, %sub3A_205 : vector<1x300xi32>
    %select_n3A_207 = arith.select %and3A_204, %sub3A_206, %div3A_181 : vector<1x300xi1>, vector<1x300xi32>
    %reshape3A_208 = vector.shape_cast %select_n3A_207 : vector<1x300xi32> to vector<1x1x300xi32>
    %swap3A_209 = arith.constant 0 : index
    %swap3A_210 = arith.constant 0 : index
    %swap3A_211 = arith.constant 0 : index
    %swap3A_212 = vector.load %arg3[%swap3A_209, %swap3A_210, %swap3A_211] : memref<1x1x300xi32, #tpu.memory_space<vmem>>, vector<1x1x300xi32>
    tpu.vector_store %arg3[%swap3A_209, %swap3A_210, %swap3A_211], %reshape3A_208 {strides = array<i32>} : memref<1x1x300xi32, #tpu.memory_space<vmem>>, vector<1x1x300xi32>,
    %reshape3A_213 = vector.shape_cast %scan3A_155#0 : vector<1x300xf32> to vector<1x1x300xf32>
    %swap3A_214 = arith.constant 0 : index
    %swap3A_215 = arith.constant 0 : index
    %swap3A_216 = arith.constant 0 : index
    %swap3A_217 = vector.load %arg4[%swap3A_214, %swap3A_215, %swap3A_216] : memref<1x1x300xf32, #tpu.memory_space<vmem>>, vector<1x1x300xf32>
    tpu.vector_store %arg4[%swap3A_214, %swap3A_215, %swap3A_216], %reshape3A_213 {strides = array<i32>} : memref<1x1x300xf32, #tpu.memory_space<vmem>>, vector<1x1x300xf32>,
    return
  }
  func.func @transform_0(%arg0: i32) -> (i32, i32, i32) {
    %c0_i32 = arith.constant 0 : i32
    %c0_i32_0 = arith.constant 0 : i32
    %c0_i32_1 = arith.constant 0 : i32
    return %arg0, %c0_i32, %c0_i32_0 : i32, i32, i32
  }
  func.func @transform_1(%arg0: i32) -> (i32, i32, i32) {
    %c0_i32 = arith.constant 0 : i32
    %c0_i32_0 = arith.constant 0 : i32
    %c0_i32_1 = arith.constant 0 : i32
    return %arg0, %c0_i32, %c0_i32_0 : i32, i32, i32
  }
  func.func @transform_2(%arg0: i32) -> (i32, i32, i32) {
    %c0_i32 = arith.constant 0 : i32
    %c0_i32_0 = arith.constant 0 : i32
    %c0_i32_1 = arith.constant 0 : i32
    return %arg0, %c0_i32, %c0_i32_0 : i32, i32, i32
  }
  func.func @transform_3(%arg0: i32) -> (i32, i32, i32) {
    %c0_i32 = arith.constant 0 : i32
    %c0_i32_0 = arith.constant 0 : i32
    %c0_i32_1 = arith.constant 0 : i32
    return %arg0, %c0_i32, %c0_i32_0 : i32, i32, i32
  }
}

</mosaic_0001>

<sc_bundles>
// kernel: kernel.4.cloned.1.call-start
scs
__scs_entry_jumppad:
0x0: {  	(pc) =	sbr.rel $0x88, $3  }
0x1: {  	(tag) =	ssettag $0x0;
	lr =	simm.s32 $0x1  }
0x2: {  	[smem:$0x3F9E] =	sst lr;
	_ =	strace $0xD0000000  }
0x3: {  	_ = 	snop  }
0x4: {  	_ = 	snop  }
0x5: {  	_ = 	snop  }
0x6: {  	_ = 	snop  }
0x7: {  	_ = 	snop  }
__scs_overlays_trampoline_lowered:
0x8: {  	[smem:$0x3FAD] =	sst s0  }
0x9: {  	[smem:$0x3FAE] =	sst s1  }
0xa: {  	[smem:$0x3FAF] =	sst s2  }
0xb: {  	[smem:$0x3FB0] =	sst s3  }
0xc: {  	[smem:$0x3FB1] =	sst s4  }
0xd: {  	[smem:$0x3FB2] =	sst s5  }
0xe: {  	[smem:$0x3FB3] =	sst s6  }
0xf: {  	[smem:$0x3FB4] =	sst s7  }
0x10: {  	[smem:$0x3FB5] =	sst s8  }
0x11: {  	[smem:$0x3FB6] =	sst s9;
	s0 =	simm.s32 @!p0 $0x0  }
0x12: {  	s1 =	sld [smem:$0x3F9C];
	s0 =	simm.s32 @p0 $0x1  }
0x13: {  	[smem:$0x3FB7] =	sst s0;
	s0 =	simm.s32 @!p1 $0x0  }
0x14: {  	s2 =	sld [smem:$0x3F9B];
	s0 =	simm.s32 @p1 $0x1  }
0x15: {  	[smem:$0x3FB8] =	sst s0;
	s0 =	simm.s32 @!p2 $0x0  }
0x16: {  	s3 =	sld [smem:$0x3FDB];
	s0 =	simm.s32 @p2 $0x1  }
0x17: {  	s4 =	simm.s32 $0x1BF5;
	[smem:$0x3FBA] =	sst s0  }
0x18: {  	s0 =	sld [smem:$0x3F9D];
	_ =	swait.ge [sflag:s4], $0x0  }
0x19: {  	s7 =	sld [smem:$0x3F9E]  }
0x1a: {  	s8 =	sadd.s32 $0xFFFFE003, lr  }
0x1b: {  	s9 =	sadd.s32 $0xFFFFFEF7, lr;
	s5 =	simm.s32 $0xFFFFFFFF;
	p2 =	slt.u32 s8, $0xFFFFF086  }
0x1c: {  	p1 =	slt.u32 s9, $0xF7A;
	s5 =	simm.s32 @!p2 $0x0  }
0x1d: {  	s5 =	simm.s32 @p1 $0x1;
	p0 =	seq.s32 s7, s2  }
0x1e: {  	s7 =	smul.u32 @!p0 $0xF7A, s2;
	p2 =	seq.s32 @!p0 s5, $0x0  }
0x1f: {  	s9 =	smul.u32 $0xF7A, s1;
	s8 =	simm.s32 @!p0 $0x1BF5;
	p2 =	por !p2, p0  }
0x20: {  	[sflag:s8] =	ssyncset.s32 @!p0 $0xFFFFF086;
	s6 =	sadd.s32 @!p0 s3, s7;
	s7 =	simm.s32 @!p0 $0x108  }
0x21: {  	s3 =	sadd.s32 s3, s9;
	s6 =	sadd.s32 @!p0 $0x88, s6;
	s7 =	simm.s32 @p2 $0x1082  }
0x22: {  	[simem:s7], [sflag:s8] =	dma.local @!p0 [hbm:s6], $0xF7A  }
0x23: {  	s9 =	sor.u32 $0xD0000000, s2;
	s6 =	simm.s32 $0x108;
	_ =	swait.ge @!p0 [sflag:s8], $0x0  }
0x24: {  	s3 =	sadd.s32 $0x88, s3;
	s6 =	simm.s32 @!p1 $0x1082;
	[sflag:s4] =	ssyncset.s32 $0xFFFFF086  }
0x25: {  	[simem:s6], [sflag:s4] =	dma.local [hbm:s3], $0xF7A  }
0x26: {  	[smem:$0x3F9E] =	sst s1;
	(tag) =	ssettag s2;
	_ =	strace s9  }
0x27: {  	s1 =	sld [smem:$0x3FAE]  }
0x28: {  	s2 =	sld [smem:$0x3FAF]  }
0x29: {  	s4 =	sld [smem:$0x3FB1]  }
0x2a: {  	p0 =	seq.s32 s5, $0x0;
	s5 =	sld [smem:$0x3FB2]  }
0x2b: {  	s6 =	sld [smem:$0x3FB3]  }
0x2c: {  	s7 =	sld [smem:$0x3FB4]  }
0x2d: {  	s3 =	simm.s32 $0x108;
	s8 =	sld [smem:$0x3FB5]  }
0x2e: {  	s3 =	simm.s32 @!p0 $0x1082;
	s9 =	sld [smem:$0x3FB6]  }
0x2f: {  	lr =	sadd.s32 s0, s3;
	s0 =	sld [smem:$0x3FAD]  }
0x30: {  	s3 =	sld [smem:$0x3FB0]  }
0x31: {  	[smem:$0x3FB9] =	sst s10  }
0x32: {  	s10 =	sld [smem:$0x3FB7];
	_ =	sdelay $0x3  }
0x33: {  	p0 =	seq.s32 s10, $0x1;
	s10 =	sld [smem:$0x3FB9];
	_ =	sdelay $0x3  }
0x34: {  	[smem:$0x3FB9] =	sst s10  }
0x35: {  	s10 =	sld [smem:$0x3FB8];
	_ =	sdelay $0x3  }
0x36: {  	p1 =	seq.s32 s10, $0x1;
	s10 =	sld [smem:$0x3FB9];
	_ =	sdelay $0x3  }
0x37: {  	[smem:$0x3FB9] =	sst s10  }
0x38: {  	s10 =	sld [smem:$0x3FBA]  }
0x39: {  	_ = 	snop;
	(pc) =	sbr.ind lr, $3  }
0x3a: {  	_ = 	snop  }
0x3b: {  	_ = 	snop  }
0x3c: {  	p2 =	seq.s32 s10, $0x1;
	s10 =	sld [smem:$0x3FB9]  }
0x3d: {  	_ =	shalt  }
0x3e: {  	_ =	shalt  }
0x3f: {  	_ =	shalt  }
0x40: {  	_ =	shalt  }
0x41: {  	_ =	shalt  }
0x42: {  	_ =	shalt  }
0x43: {  	_ =	shalt  }
0x44: {  	_ =	shalt  }
0x45: {  	_ =	shalt  }
0x46: {  	_ =	shalt  }
0x47: {  	_ =	shalt  }
0x48: {  	_ =	shalt  }
0x49: {  	_ =	shalt  }
0x4a: {  	_ =	shalt  }
0x4b: {  	_ =	shalt  }
0x4c: {  	_ =	shalt  }
0x4d: {  	_ =	shalt  }
0x4e: {  	_ =	shalt  }
0x4f: {  	_ =	shalt  }
0x50: {  	_ =	shalt  }
0x51: {  	_ =	shalt  }
0x52: {  	_ =	shalt  }
0x53: {  	_ =	shalt  }
0x54: {  	_ =	shalt  }
0x55: {  	_ =	shalt  }
0x56: {  	_ =	shalt  }
0x57: {  	_ =	shalt  }
0x58: {  	_ =	shalt  }
0x59: {  	_ =	shalt  }
0x5a: {  	_ =	shalt  }
0x5b: {  	_ =	shalt  }
0x5c: {  	_ =	shalt  }
0x5d: {  	_ =	shalt  }
0x5e: {  	_ =	shalt  }
0x5f: {  	_ =	shalt  }
0x60: {  	_ =	shalt  }
0x61: {  	_ =	shalt  }
0x62: {  	_ =	shalt  }
0x63: {  	_ =	shalt  }
0x64: {  	_ =	shalt  }
0x65: {  	_ =	shalt  }
0x66: {  	_ =	shalt  }
0x67: {  	_ =	shalt  }
0x68: {  	_ =	shalt  }
0x69: {  	_ =	shalt  }
0x6a: {  	_ =	shalt  }
0x6b: {  	_ =	shalt  }
0x6c: {  	_ =	shalt  }
0x6d: {  	_ =	shalt  }
0x6e: {  	_ =	shalt  }
0x6f: {  	_ =	shalt  }
0x70: {  	_ =	shalt  }
0x71: {  	_ =	shalt  }
0x72: {  	_ =	shalt  }
0x73: {  	_ =	shalt  }
0x74: {  	_ =	shalt  }
0x75: {  	_ =	shalt  }
0x76: {  	_ =	shalt  }
0x77: {  	_ =	shalt  }
0x78: {  	_ =	shalt  }
0x79: {  	_ =	shalt  }
0x7a: {  	_ =	shalt  }
0x7b: {  	_ =	shalt  }
0x7c: {  	_ =	shalt  }
0x7d: {  	_ =	shalt  }
0x7e: {  	_ =	shalt  }
0x7f: {  	_ =	shalt  }
0x80: {  	_ =	shalt  }
0x81: {  	_ =	shalt  }
0x82: {  	_ =	shalt  }
0x83: {  	_ =	shalt  }
0x84: {  	_ =	shalt  }
0x85: {  	_ =	shalt  }
0x86: {  	_ =	shalt  }
0x87: {  	_ =	shalt  }
.Lfunc_end0:
.L_simem_size_0:
called_computation_lowered:
.L_overlay_start_0:
0x88: {  	s2 =	sld [smem:$0x3FD9]  }
0x89: {  	s3 =	sld [smem:$0x3FFE];
	_ =	sdelay $0x1  }
0x8a: {  	s1 =	srdreg.scid  }
0x8b: {  	s0 =	sand.u32 $0x1, s1  }
0x8c: {  	s14 =	sshll.u32 s0, $0xA;
	s2 =	sadd.s32 s3, s2  }
0x8d: {  	s2 =	sadd.s32 s2, s14  }
0x8e: {  	[smem:$0x3FC5] =	sst s2  }
0x8f: {  	_ = 	snop  }
0x90: {  	s2 =	sld [smem:$0x3FD0];
	_ =	sdelay $0x2  }
0x91: {  	s15 =	simm.s32 $0xA;
	s4 =	simm.s32 $0x10  }
0x92: {  	[smem:s4], [sflag:s15] =	dma.local [hbm:s2], $0x1  }
0x93: {  	_ =	swait.eq [sflag:s15], $0x1  }
0x94: {  	[sflag:s15] =	ssyncset.done $0x0  }
0x95: {  	[sflag:s15] =	ssyncadd.s32 $0xFFFFFFFF  }
0x96: {  	s16 =	sld [smem:$0x11];
	(tm) =	ssettm $0x1  }
0x97: {  	s17 =	sld [smem:$0x3FFB];
	_ =	sdelay $0x3  }
0x98: {  	_ =	strace s17  }
0x99: {  	s3 =	sld [smem:$0x3FFC];
	_ =	sdelay $0x3  }
0x9a: {  	_ =	strace s3  }
0x9b: {  	s3 =	sld [smem:$0x3FFD];
	_ =	sdelay $0x3  }
0x9c: {  	_ =	strace s3  }
0x9d: {  	_ =	strace $0x8FFFFFFF  }
0x9e: {  	s18 =	sld [smem:$0x3FDB];
	_ =	sdelay $0x1  }
0x9f: {  	s19 =	simm.s32 $_scs_section_size  }
0xa0: {  	s5 =	simm.s32 $_size__tile_overlayer_lowered;
	s6 =	simm.s32 $_tile_overlayer_lowered  }
0xa1: {  	s22 =	simm.s32 $0x1BFF;
	s21 =	sshll.u32 s6, $0x1;
	s3 =	sadd.s32 s19, s18  }
0xa2: {  	s7 =	simm.s32 $0x0;
	s20 =	sshll.u32 s5, $0x1;
	s5 =	sadd.s32 s21, s3  }
0xa3: {  	[timem:s7], [sflag:s22] =	dma.local [hbm:s5], s20  }
0xa4: {  	_ =	swait.ge [sflag:s22], s20  }
0xa5: {  	s4 =	ssub.s32 $0x0, s20;
	[sflag:s22] =	ssyncset.done $0x0  }
0xa6: {  	[sflag:s22] =	ssyncadd.s32 s4;
	_ =	sdelay $0x1  }
0xa7: {  	s23 =	simm.s32 $0x1B8B  }
0xa8: {  	_ =	swait.ge [sflag:s23], $0x1  }
0xa9: {  	[sflag:s23] =	ssyncset.done $0x0  }
0xaa: {  	s25 =	simm.s32 $0x1B8E;
	s24 =	sld [smem:$0x3FFE];
	[sflag:s23] =	ssyncadd.s32 $0xFFFFFFFF  }
0xab: {  	s26 =	simm.s32 $execute0_lowered;
	[smem:$0x3FD2] =	sst s25  }
0xac: {  	s5 =	sshll.u32 s26, $0x1;
	_ =	strace $0x80000046;
	[dreg:$0x1] =	wrdreg $0xFFFFFFFF  }
0xad: {  	s28 =	simm.s32 $_size_execute0_lowered;
	s3 =	sadd.s32 s3, s5;
	[dreg:$0x0] =	wrdreg $0x0  }
0xae: {  	s5 =	sshll.u32 s28, $0x1;
	[dreg:$0x2] =	wrdreg s3  }
0xaf: {  	[dreg:$0x3] =	wrdreg s5  }
0xb0: {  	[dreg:$0x4] =	wrdreg $0xC0  }
0xb1: {  	_ =	task [dreg:s7], $0x5FFFF  }
0xb2: {  	[dreg:$0x1] =	wrdreg $0xFFFFFFFF  }
0xb3: {  	[dreg:$0x0] =	wrdreg $0x60  }
0xb4: {  	[dreg:$0x2] =	wrdreg s24  }
0xb5: {  	[dreg:$0x3] =	wrdreg s16  }
0xb6: {  	[dreg:$0x4] =	wrdreg $0x9  }
0xb7: {  	_ =	task.clear_ibuf [dreg:s7], $0x5FFFF;
	_ =	strace $0x90000046  }
0xb8: {  	s29 =	simm.s32 $0x9;
	_ =	strace $0x80000048  }
0xb9: {  	_ =	swait.ge [sflag:s29], $0x1  }
0xba: {  	[sflag:s29] =	ssyncadd.s32 $0xFFFFFFFF  }
0xbb: {  	_ =	strace $0x90000048  }
0xbc: {  	_ =	sfence  }
0xbd: {  	s30 =	sld [smem:$0x0];
	_ =	sdelay $0x2  }
0xbe: {  	s31 =	sshll.u32 s1, $0xD;
	s1 =	sshrl.u32 s1, $0x2  }
0xbf: {  	s3 =	sand.u32 $0x4000, s31;
	s1 =	sadd.s32 s1, s30  }
0xc0: {  	s0 =	sor.u32 s3, s0;
	s1 =	sshll.u32 s1, $0x11  }
0xc1: {  	s0 =	sor.u32 s1, s0  }
0xc2: {  	s0 =	sadd.s32 $0x8F2B, s0  }
0xc3: {  	[sflag:s0] =	ssyncadd.remote.s32 $0x1  }
0xc4: {  	_ =	sfence.sel $0xFFFF  }
0xc5: {  	[dreg:$0x0] =	wrdreg $0xFFFFFFFF;
	(pc) =	sbr.abs _section_cstart, $3  }
0xc6: {  	[dreg:$0x1] =	wrdreg $0xFFFFFFFF  }
0xc7: {  	_ =	task.clear_ibuf [dreg:s7], $0x2FFFF;
	_ =	strace $0x9FFFFFFF  }
0xc8: {  	(tm) =	ssettm $0x7FFFFFFF  }
0xc9: {  	_ =	shalt  }
tec
execute0_lowered:
.L_overlay_start_1:
0x0: {  	(tag) =	ssettag $0x1  }
0x1: {  	v0 =	vlaneseq.u32  }
0x2: {  	s1 =	srdreg.scid;
	v0 =	vmul.u32 $0x4, v0  }
0x3: {  	s0 =	stileid.u32;
	s4 =	sand.u32 $0x1, s1  }
0x4: {  	s1 =	sor.u32 s4, s0;
	v3 =	vor.u32 $0x1, v0;
	v4 =	vor.u32 $0x2, v0;
	v5 =	vor.u32 $0x3, v0  }
0x5: {  	s5 =	rddreg [dreg:$0x0];
	p0 =	seq.s32 s4, $0x1;
	p1 =	seq.s32 s1, $0x0;
	v6 =	vor.u32 $0x40, v0;
	v7 =	vor.u32 $0x41, v0;
	v8 =	vor.u32 $0x42, v0  }
0x6: {  	s7 =	rddreg [dreg:$0x1];
	v9 =	vor.u32 $0x43, v0;
	v10 =	vor.u32 $0x80, v0;
	v11 =	vor.u32 $0x81, v0;
	p1 =	por !p1, !p0  }
0x7: {  	s2 =	simm.s32 $0x0;
	s1 =	simm.s32 $0x1;
	v12 =	vor.u32 $0x82, v0;
	v13 =	vor.u32 $0x83, v0;
	v14 =	vor.u32 $0xC0, v0;
	p1 =	por !p1, !p1  }
0x8: {  	s8 =	simm.s32 $0xA0;
	s11 =	simm.s32 $0x13980;
	v15 =	vor.u32 $0xC1, v0;
	v16 =	vor.u32 $0xC2, v0;
	v17 =	vor.u32 $0xC3, v0;
	s1 =	simm.s32 @!p1 $0x0  }
0x9: {  	[smem:$0x7FF] =	sst s2;
	s10 =	ssub.s32 $0x2, s4;
	v18 =	vor.u32 $0x100, v0;
	v19 =	vor.u32 $0x101, v0;
	v20 =	vor.u32 $0x102, v0;
	s3 =	ssub.s32 s0, s1  }
0xa: {  	s4 =	sadd.s32 $0x1000, s5;
	v21 =	vor.u32 $0x103, v0;
	v22 =	vor.u32 $0x140, v0;
	v23 =	vor.u32 $0x141, v0;
	s30 =	sshrl.u32 s10, $0x1;
	s6 =	smul.u32 $0x140, s3  }
0xb: {  	s8 =	simm.s32 @!p0 $0x0;
	v24 =	vor.u32 $0x142, v0;
	v25 =	vor.u32 $0x143, v0;
	v26 =	vor.u32 $0x180, v0;
	s10 =	ssub.s32 s10, s30;
	s9 =	smul.u32 $0x13880, s3  }
0xc: {  	v27 =	vor.u32 $0x181, v0;
	v28 =	vor.u32 $0x182, v0;
	v29 =	vor.u32 $0x183, v0;
	s1 =	sshll.u32 s3, $0x1;
	s26 =	sshllo.u32 s3, $0x1;
	s3 =	simm.s32 $0x1  }
0xd: {  	v30 =	vor.u32 $0x1C0, v0;
	v31 =	vor.u32 $0x1C1, v0;
	v1 =	vmov s1;
	s1 =	rddreg [dreg:$0x2];
	s6 =	sadd.s32 s8, s6;
	s28 =	sshrl.u32 s9, $0x3  }
0xe: {  	v32 =	vor.u32 $0x1C2, v0;
	v33 =	vor.u32 $0x1C3, v0;
	v34 =	vor.u32 $0x200, v0;
	_ =	strace $0x80000047;
	s29 =	sshrl.u32 s6, $0x3;
	s8 =	sadd.s32 s28, s5  }
0xf: {  	v35 =	vor.u32 $0x201, v0;
	v36 =	vor.u32 $0x202, v0;
	v37 =	vor.u32 $0x203, v0;
	s6 =	sshrl.u32 s6, $0x1;
	s9 =	sadd.s32 s29, s5;
	s5 =	sadd.s32 $0x4E3000, s8  }
0x10: {  	v38 =	vor.u32 $0x240, v0;
	v39 =	vor.u32 $0x241, v0;
	v40 =	vor.u32 $0x242, v0;
	s31 =	sand.u32 $0x1FFFFFF0, s6;
	s8 =	smax.u32 s10, $0x1;
	s10 =	simm.s32 $0x13C00  }
0x11: {  	v41 =	vor.u32 $0x243, v0;
	v2 =	vmov s26;
	v1 =	vbroadcast v1, $0x0;
	s6 =	sadd.s32 $0xC00, s9;
	s7 =	sadd.s32 s7, s31;
	s9 =	simm.s32 $0x13880  }
.LBB2_1:
0x12: {  	[tilespmem:s2], [sflag:$0x1] =	stream.linear.gather [hbm4b:s5+s2], $0x13880, $0x38;
	[tilespmem:$0x13C80] =	vst v63  }
0x13: {  	_ =	swait.ge [sflag:s3], $0x13880  }
0x14: {  	[sflag:s3] =	ssyncset.done $0x0  }
0x15: {  	[sflag:s3] =	ssyncadd.s32 $0xFFFEC780  }
0x16: {  	[tilespmem:s9], [sflag:$0x1] =	stream.linear.gather [hbm4b:s6+s2], $0xA0, $0x38;
	[tilespmem:$0x13C80] =	vst v63  }
0x17: {  	_ =	swait.ge [sflag:s3], $0xA0  }
0x18: {  	[sflag:s3] =	ssyncset.done $0x0  }
0x19: {  	[sflag:s3] =	ssyncadd.s32 $0xFFFFFF60  }
0x1a: {  	[tilespmem:s10], [sflag:$0x1] =	stream.linear.gather [hbm4b:s4+s2], $0x80, $0x38;
	[tilespmem:$0x13C80] =	vst v63  }
0x1b: {  	_ =	swait.ge [sflag:s3], $0x80  }
0x1c: {  	[sflag:s3] =	ssyncset.done $0x0  }
0x1d: {  	[sflag:s3] =	ssyncadd.s32 $0xFFFFFF80  }
0x1e: {  	v42 =	vld [tilespmem:$0x13880];
	_ =	sdelay $0x4  }
0x1f: {  	v42 =	vshll.u32 v42, $0x2  }
0x20: {  	v43 =	vor.u32 $0x2, v42  }
0x21: {  	v44 =	vor.u32 $0x3, v42;
	_ =	sdelay $0x1  }
0x22: {  	v45 =	vor.u32 $0x1, v42;
	_ =	sdelay $0x1  }
0x23: {  	v46 =	vld.idx.msk [tilespmem:v43+s2+$0x0], $0xffff  }
0x24: {  	v44 =	vld.idx.msk [tilespmem:v44+s2+$0x0], $0xffff  }
0x25: {  	v47 =	vld.idx.msk [tilespmem:v42+s2+$0x0], $0xffff  }
0x26: {  	v45 =	vld.idx.msk [tilespmem:v45+s2+$0x0], $0xffff  }
0x27: {  	v43 =	vld.idx.msk [tilespmem:v1+s10+$0x0], $0xffff  }
0x28: {  	v42 =	vld.idx.msk [tilespmem:v2+s10+$0x0], $0xffff;
	v46 =	vmul.f32 $5.000000000e-01, v46  }
0x29: {  	v44 =	vmul.f32 $5.000000000e-01, v44  }
0x2a: {  	v48 =	vsub.f32 v47, v46  }
0x2b: {  	v49 =	vsub.f32 v45, v44  }
0x2c: {  	v46 =	vadd.f32 v46, v47;
	v48 =	vmul.f32 v48, v43  }
0x2d: {  	v44 =	vadd.f32 v44, v45;
	v57 =	vmul.f32 v49, v42  }
0x2e: {  	v58 =	vmul.f32 v46, v43;
	[tilespmem:v0+s11+$0x0] =	vst.idx.msk $0xffff, v48  }
0x2f: {  	v44 =	vmul.f32 v44, v42;
	[tilespmem:v3+s11+$0x0] =	vst.idx.msk $0xffff, v57  }
0x30: {  	[tilespmem:v4+s11+$0x0] =	vst.idx.msk $0xffff, v58  }
0x31: {  	[tilespmem:v5+s11+$0x0] =	vst.idx.msk $0xffff, v44  }
0x32: {  	v44 =	vld [tilespmem:$0x13890];
	_ =	sdelay $0x4  }
0x33: {  	v44 =	vshll.u32 v44, $0x2  }
0x34: {  	v59 =	vor.u32 $0x2, v44  }
0x35: {  	v60 =	vor.u32 $0x3, v44;
	_ =	sdelay $0x1  }
0x36: {  	v61 =	vor.u32 $0x1, v44;
	_ =	sdelay $0x1  }
0x37: {  	v45 =	vld.idx.msk [tilespmem:v59+s2+$0x0], $0xffff  }
0x38: {  	v46 =	vld.idx.msk [tilespmem:v60+s2+$0x0], $0xffff  }
0x39: {  	v44 =	vld.idx.msk [tilespmem:v44+s2+$0x0], $0xffff  }
0x3a: {  	v47 =	vld.idx.msk [tilespmem:v61+s2+$0x0], $0xffff;
	_ =	sdelay $0x1  }
0x3b: {  	v45 =	vmul.f32 $5.000000000e-01, v45  }
0x3c: {  	v46 =	vmul.f32 $5.000000000e-01, v46  }
0x3d: {  	v62 =	vsub.f32 v44, v45  }
0x3e: {  	v63 =	vsub.f32 v47, v46  }
0x3f: {  	v44 =	vadd.f32 v45, v44;
	v48 =	vmul.f32 v62, v43  }
0x40: {  	v46 =	vadd.f32 v46, v47;
	v52 =	vmul.f32 v63, v42  }
0x41: {  	v44 =	vmul.f32 v44, v43;
	[tilespmem:v6+s11+$0x0] =	vst.idx.msk $0xffff, v48  }
0x42: {  	v46 =	vmul.f32 v46, v42;
	[tilespmem:v7+s11+$0x0] =	vst.idx.msk $0xffff, v52  }
0x43: {  	[tilespmem:v8+s11+$0x0] =	vst.idx.msk $0xffff, v44  }
0x44: {  	[tilespmem:v9+s11+$0x0] =	vst.idx.msk $0xffff, v46  }
0x45: {  	v44 =	vld [tilespmem:$0x138A0];
	_ =	sdelay $0x4  }
0x46: {  	v44 =	vshll.u32 v44, $0x2  }
0x47: {  	v53 =	vor.u32 $0x2, v44  }
0x48: {  	v54 =	vor.u32 $0x3, v44;
	_ =	sdelay $0x1  }
0x49: {  	v55 =	vor.u32 $0x1, v44;
	_ =	sdelay $0x1  }
0x4a: {  	v45 =	vld.idx.msk [tilespmem:v53+s2+$0x0], $0xffff  }
0x4b: {  	v46 =	vld.idx.msk [tilespmem:v54+s2+$0x0], $0xffff  }
0x4c: {  	v44 =	vld.idx.msk [tilespmem:v44+s2+$0x0], $0xffff  }
0x4d: {  	v47 =	vld.idx.msk [tilespmem:v55+s2+$0x0], $0xffff;
	_ =	sdelay $0x1  }
0x4e: {  	v45 =	vmul.f32 $5.000000000e-01, v45  }
0x4f: {  	v46 =	vmul.f32 $5.000000000e-01, v46  }
0x50: {  	v56 =	vsub.f32 v44, v45  }
0x51: {  	v57 =	vsub.f32 v47, v46  }
0x52: {  	v44 =	vadd.f32 v45, v44;
	v48 =	vmul.f32 v56, v43  }
0x53: {  	v46 =	vadd.f32 v46, v47;
	v58 =	vmul.f32 v57, v42  }
0x54: {  	v44 =	vmul.f32 v44, v43;
	[tilespmem:v10+s11+$0x0] =	vst.idx.msk $0xffff, v48  }
0x55: {  	v46 =	vmul.f32 v46, v42;
	[tilespmem:v11+s11+$0x0] =	vst.idx.msk $0xffff, v58  }
0x56: {  	[tilespmem:v12+s11+$0x0] =	vst.idx.msk $0xffff, v44  }
0x57: {  	[tilespmem:v13+s11+$0x0] =	vst.idx.msk $0xffff, v46  }
0x58: {  	v44 =	vld [tilespmem:$0x138B0];
	_ =	sdelay $0x4  }
0x59: {  	v44 =	vshll.u32 v44, $0x2  }
0x5a: {  	v59 =	vor.u32 $0x2, v44  }
0x5b: {  	v60 =	vor.u32 $0x3, v44;
	_ =	sdelay $0x1  }
0x5c: {  	v61 =	vor.u32 $0x1, v44;
	_ =	sdelay $0x1  }
0x5d: {  	v45 =	vld.idx.msk [tilespmem:v59+s2+$0x0], $0xffff  }
0x5e: {  	v46 =	vld.idx.msk [tilespmem:v60+s2+$0x0], $0xffff  }
0x5f: {  	v44 =	vld.idx.msk [tilespmem:v44+s2+$0x0], $0xffff  }
0x60: {  	v47 =	vld.idx.msk [tilespmem:v61+s2+$0x0], $0xffff;
	_ =	sdelay $0x1  }
0x61: {  	v45 =	vmul.f32 $5.000000000e-01, v45  }
0x62: {  	v46 =	vmul.f32 $5.000000000e-01, v46  }
0x63: {  	v62 =	vsub.f32 v44, v45  }
0x64: {  	v63 =	vsub.f32 v47, v46  }
0x65: {  	v44 =	vadd.f32 v45, v44;
	v48 =	vmul.f32 v62, v43  }
0x66: {  	v46 =	vadd.f32 v46, v47;
	v52 =	vmul.f32 v63, v42  }
0x67: {  	v44 =	vmul.f32 v44, v43;
	[tilespmem:v14+s11+$0x0] =	vst.idx.msk $0xffff, v48  }
0x68: {  	v46 =	vmul.f32 v46, v42;
	[tilespmem:v15+s11+$0x0] =	vst.idx.msk $0xffff, v52  }
0x69: {  	[tilespmem:v16+s11+$0x0] =	vst.idx.msk $0xffff, v44  }
0x6a: {  	[tilespmem:v17+s11+$0x0] =	vst.idx.msk $0xffff, v46  }
0x6b: {  	v44 =	vld [tilespmem:$0x138C0];
	_ =	sdelay $0x4  }
0x6c: {  	v44 =	vshll.u32 v44, $0x2  }
0x6d: {  	v53 =	vor.u32 $0x2, v44  }
0x6e: {  	v54 =	vor.u32 $0x3, v44;
	_ =	sdelay $0x1  }
0x6f: {  	v55 =	vor.u32 $0x1, v44;
	_ =	sdelay $0x1  }
0x70: {  	v45 =	vld.idx.msk [tilespmem:v53+s2+$0x0], $0xffff  }
0x71: {  	v46 =	vld.idx.msk [tilespmem:v54+s2+$0x0], $0xffff  }
0x72: {  	v44 =	vld.idx.msk [tilespmem:v44+s2+$0x0], $0xffff  }
0x73: {  	v47 =	vld.idx.msk [tilespmem:v55+s2+$0x0], $0xffff;
	_ =	sdelay $0x1  }
0x74: {  	v45 =	vmul.f32 $5.000000000e-01, v45  }
0x75: {  	v46 =	vmul.f32 $5.000000000e-01, v46  }
0x76: {  	v56 =	vsub.f32 v44, v45  }
0x77: {  	v57 =	vsub.f32 v47, v46  }
0x78: {  	v44 =	vadd.f32 v45, v44;
	v48 =	vmul.f32 v56, v43  }
0x79: {  	v46 =	vadd.f32 v46, v47;
	v58 =	vmul.f32 v57, v42  }
0x7a: {  	v44 =	vmul.f32 v44, v43;
	[tilespmem:v18+s11+$0x0] =	vst.idx.msk $0xffff, v48  }
0x7b: {  	v46 =	vmul.f32 v46, v42;
	[tilespmem:v19+s11+$0x0] =	vst.idx.msk $0xffff, v58  }
0x7c: {  	[tilespmem:v20+s11+$0x0] =	vst.idx.msk $0xffff, v44  }
0x7d: {  	[tilespmem:v21+s11+$0x0] =	vst.idx.msk $0xffff, v46  }
0x7e: {  	v44 =	vld [tilespmem:$0x138D0];
	_ =	sdelay $0x4  }
0x7f: {  	v44 =	vshll.u32 v44, $0x2  }
0x80: {  	v59 =	vor.u32 $0x2, v44  }
0x81: {  	v60 =	vor.u32 $0x3, v44;
	_ =	sdelay $0x1  }
0x82: {  	v61 =	vor.u32 $0x1, v44;
	_ =	sdelay $0x1  }
0x83: {  	v45 =	vld.idx.msk [tilespmem:v59+s2+$0x0], $0xffff  }
0x84: {  	v46 =	vld.idx.msk [tilespmem:v60+s2+$0x0], $0xffff  }
0x85: {  	v44 =	vld.idx.msk [tilespmem:v44+s2+$0x0], $0xffff  }
0x86: {  	v47 =	vld.idx.msk [tilespmem:v61+s2+$0x0], $0xffff;
	_ =	sdelay $0x1  }
0x87: {  	v45 =	vmul.f32 $5.000000000e-01, v45  }
0x88: {  	v46 =	vmul.f32 $5.000000000e-01, v46  }
0x89: {  	v62 =	vsub.f32 v44, v45  }
0x8a: {  	v63 =	vsub.f32 v47, v46  }
0x8b: {  	v44 =	vadd.f32 v45, v44;
	v48 =	vmul.f32 v62, v43  }
0x8c: {  	v46 =	vadd.f32 v46, v47;
	v52 =	vmul.f32 v63, v42  }
0x8d: {  	v44 =	vmul.f32 v44, v43;
	[tilespmem:v22+s11+$0x0] =	vst.idx.msk $0xffff, v48  }
0x8e: {  	v46 =	vmul.f32 v46, v42;
	[tilespmem:v23+s11+$0x0] =	vst.idx.msk $0xffff, v52  }
0x8f: {  	[tilespmem:v24+s11+$0x0] =	vst.idx.msk $0xffff, v44  }
0x90: {  	[tilespmem:v25+s11+$0x0] =	vst.idx.msk $0xffff, v46  }
0x91: {  	v44 =	vld [tilespmem:$0x138E0];
	_ =	sdelay $0x4  }
0x92: {  	v44 =	vshll.u32 v44, $0x2  }
0x93: {  	v53 =	vor.u32 $0x2, v44  }
0x94: {  	v54 =	vor.u32 $0x3, v44;
	_ =	sdelay $0x1  }
0x95: {  	v55 =	vor.u32 $0x1, v44;
	_ =	sdelay $0x1  }
0x96: {  	v45 =	vld.idx.msk [tilespmem:v53+s2+$0x0], $0xffff  }
0x97: {  	v46 =	vld.idx.msk [tilespmem:v54+s2+$0x0], $0xffff  }
0x98: {  	v44 =	vld.idx.msk [tilespmem:v44+s2+$0x0], $0xffff  }
0x99: {  	v47 =	vld.idx.msk [tilespmem:v55+s2+$0x0], $0xffff;
	_ =	sdelay $0x1  }
0x9a: {  	v45 =	vmul.f32 $5.000000000e-01, v45  }
0x9b: {  	v46 =	vmul.f32 $5.000000000e-01, v46  }
0x9c: {  	v56 =	vsub.f32 v44, v45  }
0x9d: {  	v57 =	vsub.f32 v47, v46  }
0x9e: {  	v44 =	vadd.f32 v45, v44;
	v48 =	vmul.f32 v56, v43  }
0x9f: {  	v46 =	vadd.f32 v46, v47;
	v58 =	vmul.f32 v57, v42  }
0xa0: {  	v44 =	vmul.f32 v44, v43;
	[tilespmem:v26+s11+$0x0] =	vst.idx.msk $0xffff, v48  }
0xa1: {  	v46 =	vmul.f32 v46, v42;
	[tilespmem:v27+s11+$0x0] =	vst.idx.msk $0xffff, v58  }
0xa2: {  	[tilespmem:v28+s11+$0x0] =	vst.idx.msk $0xffff, v44  }
0xa3: {  	[tilespmem:v29+s11+$0x0] =	vst.idx.msk $0xffff, v46  }
0xa4: {  	v44 =	vld [tilespmem:$0x138F0];
	_ =	sdelay $0x4  }
0xa5: {  	v44 =	vshll.u32 v44, $0x2  }
0xa6: {  	v59 =	vor.u32 $0x2, v44  }
0xa7: {  	v60 =	vor.u32 $0x3, v44;
	_ =	sdelay $0x1  }
0xa8: {  	v61 =	vor.u32 $0x1, v44;
	_ =	sdelay $0x1  }
0xa9: {  	v45 =	vld.idx.msk [tilespmem:v59+s2+$0x0], $0xffff  }
0xaa: {  	v46 =	vld.idx.msk [tilespmem:v60+s2+$0x0], $0xffff  }
0xab: {  	v44 =	vld.idx.msk [tilespmem:v44+s2+$0x0], $0xffff  }
0xac: {  	v47 =	vld.idx.msk [tilespmem:v61+s2+$0x0], $0xffff;
	_ =	sdelay $0x1  }
0xad: {  	v45 =	vmul.f32 $5.000000000e-01, v45  }
0xae: {  	v46 =	vmul.f32 $5.000000000e-01, v46  }
0xaf: {  	v62 =	vsub.f32 v44, v45  }
0xb0: {  	v63 =	vsub.f32 v47, v46  }
0xb1: {  	v44 =	vadd.f32 v45, v44;
	v48 =	vmul.f32 v62, v43  }
0xb2: {  	v46 =	vadd.f32 v46, v47;
	v51 =	vmul.f32 v63, v42  }
0xb3: {  	v44 =	vmul.f32 v44, v43;
	[tilespmem:v30+s11+$0x0] =	vst.idx.msk $0xffff, v48  }
0xb4: {  	v46 =	vmul.f32 v46, v42;
	[tilespmem:v31+s11+$0x0] =	vst.idx.msk $0xffff, v51  }
0xb5: {  	[tilespmem:v32+s11+$0x0] =	vst.idx.msk $0xffff, v44  }
0xb6: {  	[tilespmem:v33+s11+$0x0] =	vst.idx.msk $0xffff, v46  }
0xb7: {  	v44 =	vld [tilespmem:$0x13900];
	_ =	sdelay $0x4  }
0xb8: {  	v44 =	vshll.u32 v44, $0x2  }
0xb9: {  	v52 =	vor.u32 $0x2, v44  }
0xba: {  	v53 =	vor.u32 $0x3, v44;
	_ =	sdelay $0x1  }
0xbb: {  	v54 =	vor.u32 $0x1, v44;
	_ =	sdelay $0x1  }
0xbc: {  	v45 =	vld.idx.msk [tilespmem:v52+s2+$0x0], $0xffff  }
0xbd: {  	v46 =	vld.idx.msk [tilespmem:v53+s2+$0x0], $0xffff  }
0xbe: {  	v44 =	vld.idx.msk [tilespmem:v44+s2+$0x0], $0xffff  }
0xbf: {  	v47 =	vld.idx.msk [tilespmem:v54+s2+$0x0], $0xffff;
	_ =	sdelay $0x1  }
0xc0: {  	v45 =	vmul.f32 $5.000000000e-01, v45  }
0xc1: {  	v46 =	vmul.f32 $5.000000000e-01, v46  }
0xc2: {  	v55 =	vsub.f32 v44, v45  }
0xc3: {  	v56 =	vsub.f32 v47, v46  }
0xc4: {  	v44 =	vadd.f32 v45, v44;
	v48 =	vmul.f32 v55, v43  }
0xc5: {  	v46 =	vadd.f32 v46, v47;
	v57 =	vmul.f32 v56, v42  }
0xc6: {  	v44 =	vmul.f32 v44, v43;
	[tilespmem:v34+s11+$0x0] =	vst.idx.msk $0xffff, v48  }
0xc7: {  	v46 =	vmul.f32 v46, v42;
	[tilespmem:v35+s11+$0x0] =	vst.idx.msk $0xffff, v57  }
0xc8: {  	[tilespmem:v36+s11+$0x0] =	vst.idx.msk $0xffff, v44  }
0xc9: {  	[tilespmem:v37+s11+$0x0] =	vst.idx.msk $0xffff, v46  }
0xca: {  	v44 =	vld [tilespmem:$0x13910];
	_ =	sdelay $0x4  }
0xcb: {  	v44 =	vshll.u32 v44, $0x2  }
0xcc: {  	v58 =	vor.u32 $0x2, v44  }
0xcd: {  	v59 =	vor.u32 $0x3, v44;
	_ =	sdelay $0x1  }
0xce: {  	v60 =	vor.u32 $0x1, v44;
	_ =	sdelay $0x1  }
0xcf: {  	v45 =	vld.idx.msk [tilespmem:v58+s2+$0x0], $0xffff  }
0xd0: {  	v46 =	vld.idx.msk [tilespmem:v59+s2+$0x0], $0xffff  }
0xd1: {  	v44 =	vld.idx.msk [tilespmem:v44+s2+$0x0], $0xffff  }
0xd2: {  	v47 =	vld.idx.msk [tilespmem:v60+s2+$0x0], $0xffff;
	_ =	sdelay $0x1  }
0xd3: {  	v45 =	vmul.f32 $5.000000000e-01, v45  }
0xd4: {  	v46 =	vmul.f32 $5.000000000e-01, v46  }
0xd5: {  	v61 =	vsub.f32 v44, v45  }
0xd6: {  	v62 =	vsub.f32 v47, v46  }
0xd7: {  	v44 =	vadd.f32 v45, v44;
	v48 =	vmul.f32 v61, v43  }
0xd8: {  	v46 =	vadd.f32 v46, v47;
	v63 =	vmul.f32 v62, v42  }
0xd9: {  	v43 =	vmul.f32 v44, v43;
	[tilespmem:v38+s11+$0x0] =	vst.idx.msk $0xffff, v48  }
0xda: {  	v42 =	vmul.f32 v46, v42;
	[tilespmem:v39+s11+$0x0] =	vst.idx.msk $0xffff, v63  }
0xdb: {  	p0 =	sne.s32 s8, $0x1;
	[tilespmem:v40+s11+$0x0] =	vst.idx.msk $0xffff, v43  }
.Ltmp0:
0xdc: {  	[tilespmem:v41+s11+$0x0] =	vst.idx.msk $0xffff, v42;
	(pc) =	sbr.rel @p0 .LBB2_1-.Ltmp0, $4  }
0xdd: {  	[hbm4b:s7+s2] =	stream.linear.scatter [tilespmem:s11], [sflag:$0x1], $0x280, $0x38;
	[tilespmem:$0x13C80] =	vst v63  }
0xde: {  	_ =	swait.ge [sflag:s3], $0x280  }
0xdf: {  	[sflag:s3] =	ssyncset.done $0x0  }
0xe0: {  	s8 =	sadd.s32 $0xFFFFFFFF, s8;
	[sflag:s3] =	ssyncadd.s32 $0xFFFFFD80  }
0xe1: {  	_ =	sfence.sel $0x180000  }
0xe2: {  	[bflag:$0x0] =	sbarrier.arrive $0xFFFF  }
0xe3: {  	p0 =	sne.s32 s0, $0x0;
	_ =	strace $0x90000047  }
0xe4: {  	s0 =	sadd.s32 @!p0 $0x100000, s1;
	[bflag:$0x2] =	sbarrier.arrive $0xFFFF  }
0xe5: {  	[sflag:s0] =	ssyncadd.tile.s32 @!p0 $0x1;
	_ =	shalt  }
.Lfunc_end2:
_tile_overlayer_lowered:
.L_overlay_start_2:
0xe6: {  	(tag) =	ssettag $0x2  }
0xe7: {  	s0 =	rddreg [dreg:$0x0];
	s2 =	stileid.u32  }
0xe8: {  	s1 =	rddreg [dreg:$0x1];
	p0 =	sne.s32 s2, $0x0  }
0xe9: {  	s3 =	rddreg [dreg:$0x2];
	[bflag:$0x3] =	sbarrier.arrive $0xFFFF;
	s2 =	simm.s32 @!p0 $0x1C01  }
0xea: {  	[timem:s3], [sflag:s2] =	dma.local @!p0 [hbm:s0], s1  }
0xeb: {  	s0 =	simm.s32 @!p0 $0x1  }
0xec: {  	_ =	swait.ge @!p0 [sflag:s0], s1  }
0xed: {  	s1 =	ssub.s32 @!p0 $0x0, s1;
	[sflag:s0] =	ssyncset.done @!p0 $0x0  }
0xee: {  	[sflag:s0] =	ssyncadd.s32 @!p0 s1  }
0xef: {  	[bflag:$0x3] =	sbarrier.arrive $0xFFFF  }
0xf0: {  	_ =	shalt  }

</sc_bundles>
